<compile_context>
chip_gen: v7x
topology: tpu7x:2x2x1
jax: 0.10.2.dev20260603
libtpu: 0.0.44.dev20260713+nightly
codegen_flags: <defaults>
</compile_context>

<pallas_src>
import jax
import jax.numpy as jnp
from jax import lax
from jax.experimental import pallas as pl
from jax.experimental.pallas import tpu as pltpu
from jax.experimental.pallas import tpu_sc as plsc

N = 10000
E = 320000
D = 128
NC, NS = 2, 16
NW = NC * NS
EPW = E // NW
CH = 125
NCH = EPW // CH
BLK = 20
NBLK = NCH // BLK
HOFF = 128
NP = 10240
ZCH = NP // NS
RB = 1000
BM = 2000
GRID = N // BM

_mesh = plsc.VectorSubcoreMesh(
    core_axis_name="c", subcore_axis_name="s", num_cores=NC, num_subcores=NS)



def _deg_body(sd_h, ones_h, zel_h, degp_h, idxs, ones_v, dega, isem, dsem):
    core = lax.axis_index("c")
    sub = lax.axis_index("s")
    wid = core * NS + sub
    pltpu.async_copy(sd_h.at[wid], idxs, isem)
    pltpu.sync_copy(ones_h, ones_v)
    pltpu.sync_copy(zel_h, dega.at[pl.ds(sub * ZCH, ZCH)])
    pltpu.make_async_copy(sd_h.at[wid], idxs, isem).wait()
    plsc.subcore_barrier()

    def fire(c, carry):
        pltpu.async_copy(ones_v, dega.at[idxs.at[c, 1]], dsem, add=True)
        return carry

    lax.fori_loop(0, NCH, fire, 0)

    def drain(c, carry):
        pltpu.make_async_copy(ones_v, dega.at[idxs.at[c, 1]], dsem).wait()
        return carry

    lax.fori_loop(0, NCH, drain, 0)
    plsc.subcore_barrier()

    @pl.when(sub < 8)
    def _():
        pltpu.sync_copy(dega.at[pl.ds(sub * 1280, 1280)],
                        degp_h.at[core, 0, pl.ds(sub * 1280, 1280)])


_deg_kernel = pl.kernel(
    _deg_body,
    out_type=jax.ShapeDtypeStruct((NC, 1, NP), jnp.float32),
    mesh=_mesh,
    scratch_types=[
        pltpu.VMEM((NCH, 2, CH), jnp.int32),
        pltpu.VMEM((CH,), jnp.float32),
        pltpu.VMEM_SHARED((NP,), jnp.float32),
        pltpu.SemaphoreType.DMA,
        pltpu.SemaphoreType.DMA,
    ],
)



def _agg_body(g_h, sd_h, zrows_h, parts_h, idxs, rows2, gsem, ssem, acc):
    core = lax.axis_index("c")
    sub = lax.axis_index("s")
    wid = core * NS + sub

    @pl.when(sub < 10)
    def _():
        pltpu.sync_copy(zrows_h, acc.at[pl.ds(sub * RB, RB)])

    plsc.subcore_barrier()

    def halfview(b):
        return rows2.at[pl.ds(pl.multiple_of(b * HOFF, 8), CH)]

    def block(j, carry):
        pltpu.sync_copy(sd_h.at[wid, pl.ds(j * BLK, BLK)], idxs)
        pltpu.async_copy(g_h.at[idxs.at[0, 0]], halfview(0), gsem)

        def step(c, carry2):
            b = lax.rem(c, 2)
            nb = 1 - b
            pltpu.make_async_copy(g_h.at[idxs.at[c, 0]], halfview(b),
                                  gsem).wait()

            @pl.when(c >= 1)
            def _():
                pltpu.make_async_copy(halfview(nb),
                                      acc.at[idxs.at[c - 1, 1]], ssem).wait()

            @pl.when(c < BLK - 1)
            def _():
                pltpu.async_copy(g_h.at[idxs.at[c + 1, 0]], halfview(nb),
                                 gsem)

            pltpu.async_copy(halfview(b), acc.at[idxs.at[c, 1]], ssem,
                             add=True)
            return carry2

        lax.fori_loop(0, BLK, step, 0)
        pltpu.make_async_copy(halfview(lax.rem(BLK - 1, 2)),
                              acc.at[idxs.at[BLK - 1, 1]], ssem).wait()
        return carry

    lax.fori_loop(0, NBLK, block, 0)
    plsc.subcore_barrier()

    @pl.when(sub < 10)
    def _():
        pltpu.sync_copy(acc.at[pl.ds(sub * RB, RB)],
                        parts_h.at[core, pl.ds(sub * RB, RB)])


_agg_kernel = pl.kernel(
    _agg_body,
    out_type=jax.ShapeDtypeStruct((NC, N, D), jnp.float32),
    mesh=_mesh,
    scratch_types=[
        pltpu.VMEM((BLK, 2, CH), jnp.int32),
        pltpu.VMEM((HOFF + CH, D), jnp.float32),
        pltpu.SemaphoreType.DMA,
        pltpu.SemaphoreType.DMA,
        pltpu.VMEM_SHARED((N, D), jnp.float32),
    ],
)



def _mm1_body(x_ref, w_ref, d0_ref, d1_ref, g_ref):
    dinv = lax.rsqrt(d0_ref[...] + d1_ref[...] + 1.0)
    h = jnp.dot(x_ref[...], w_ref[...], preferred_element_type=jnp.float32)
    g_ref[...] = dinv * h


def _mm1(x, w1, d0, d1):
    return pl.pallas_call(
        _mm1_body,
        grid=(GRID,),
        in_specs=[
            pl.BlockSpec((BM, D), lambda i: (i, 0)),
            pl.BlockSpec((D, D), lambda i: (0, 0)),
            pl.BlockSpec((BM, 1), lambda i: (i, 0)),
            pl.BlockSpec((BM, 1), lambda i: (i, 0)),
        ],
        out_specs=pl.BlockSpec((BM, D), lambda i: (i, 0)),
        out_shape=jax.ShapeDtypeStruct((N, D), jnp.float32),
    )(x, w1, d0, d1)


def _mm2_body(p0_ref, p1_ref, g1_ref, d0_ref, d1_ref, b1_ref, w_ref, g2_ref):
    dinv = lax.rsqrt(d0_ref[...] + d1_ref[...] + 1.0)
    z = dinv * (p0_ref[...] + p1_ref[...] + g1_ref[...]) + b1_ref[...]
    z = jnp.maximum(z, 0.0)
    h = jnp.dot(z, w_ref[...], preferred_element_type=jnp.float32)
    g2_ref[...] = dinv * h


def _mm2(p0, p1, g1, d0, d1, b1r, w2):
    return pl.pallas_call(
        _mm2_body,
        grid=(GRID,),
        in_specs=[
            pl.BlockSpec((BM, D), lambda i: (i, 0)),
            pl.BlockSpec((BM, D), lambda i: (i, 0)),
            pl.BlockSpec((BM, D), lambda i: (i, 0)),
            pl.BlockSpec((BM, 1), lambda i: (i, 0)),
            pl.BlockSpec((BM, 1), lambda i: (i, 0)),
            pl.BlockSpec((1, D), lambda i: (0, 0)),
            pl.BlockSpec((D, D), lambda i: (0, 0)),
        ],
        out_specs=pl.BlockSpec((BM, D), lambda i: (i, 0)),
        out_shape=jax.ShapeDtypeStruct((N, D), jnp.float32),
    )(p0, p1, g1, d0, d1, b1r, w2)


def _fin_body(q0_ref, q1_ref, g2_ref, d0_ref, d1_ref, b2_ref, out_ref):
    dinv = lax.rsqrt(d0_ref[...] + d1_ref[...] + 1.0)
    out_ref[...] = (dinv * (q0_ref[...] + q1_ref[...] + g2_ref[...])
                    + b2_ref[...])


def _fin(q0, q1, g2, d0, d1, b2r):
    return pl.pallas_call(
        _fin_body,
        grid=(GRID,),
        in_specs=[
            pl.BlockSpec((BM, D), lambda i: (i, 0)),
            pl.BlockSpec((BM, D), lambda i: (i, 0)),
            pl.BlockSpec((BM, D), lambda i: (i, 0)),
            pl.BlockSpec((BM, 1), lambda i: (i, 0)),
            pl.BlockSpec((BM, 1), lambda i: (i, 0)),
            pl.BlockSpec((1, D), lambda i: (0, 0)),
        ],
        out_specs=pl.BlockSpec((BM, D), lambda i: (i, 0)),
        out_shape=jax.ShapeDtypeStruct((N, D), jnp.float32),
    )(q0, q1, g2, d0, d1, b2r)



def kernel(x, adj_t, W1, b1, W2, b2):
    sd = jnp.transpose(adj_t.reshape(2, NW, NCH, CH), (1, 2, 0, 3))
    ones = jnp.ones((CH,), jnp.float32)
    zel = jnp.zeros((ZCH,), jnp.float32)
    zrows = jnp.zeros((RB, D), jnp.float32)

    degp = _deg_kernel(sd, ones, zel)
    degc = degp.reshape(NC, NP, 1)
    d0, d1 = degc[0, :N], degc[1, :N]
    g1 = _mm1(x, W1, d0, d1)
    parts1 = _agg_kernel(g1, sd, zrows)
    g2 = _mm2(parts1[0], parts1[1], g1, d0, d1,
              b1.reshape(1, D), W2)
    parts2 = _agg_kernel(g2, sd, zrows)
    return _fin(parts2[0], parts2[1], g2, d0, d1,
                b2.reshape(1, D))

# --- scband reference (transcript-rebuilt; emitter-appended) ---
"""Pipeline reference for scband-custom-gcn-21947282883017 (READ-ONLY COPY).

The authoritative reference and input builder live on the scoring server;
editing this copy changes nothing except your own understanding.
"""

import jax, jax.numpy as jnp
import numpy as np

N = 10000
E = 320000
D = 128


def setup_inputs(seed: int = 0) -> dict:
    key = jax.random.key(seed)
    k1, k2, k3, k4, k5, k6 = jax.random.split(key, 6)
    x = jax.random.normal(k1, (N, D), dtype=jnp.float32)
    adj_t = jax.random.randint(k2, (2, E), 0, N, dtype=jnp.int32)
    scale1 = 1.0 / np.sqrt(D)
    W1 = jax.random.uniform(k3, (D, D), dtype=jnp.float32, minval=-scale1, maxval=scale1)
    b1 = jnp.zeros((D,), dtype=jnp.float32)
    W2 = jax.random.uniform(k4, (D, D), dtype=jnp.float32, minval=-scale1, maxval=scale1)
    b2 = jnp.zeros((D,), dtype=jnp.float32)
    return {"x": x, "adj_t": adj_t, "W1": W1, "b1": b1, "W2": W2, "b2": b2}


def gcn_layer(x, edge_index, W, b):
    # Faithful GCNConv: add self-loops, symmetric normalization, linear, scatter-add aggregate
    n = x.shape[0]
    src = edge_index[0]
    dst = edge_index[1]
    loop = jnp.arange(n, dtype=src.dtype)
    s = jnp.concatenate([src, loop])
    d = jnp.concatenate([dst, loop])
    deg = jnp.zeros((n,), dtype=x.dtype).at[d].add(1.0)
    dinv = jnp.where(deg > 0, jax.lax.rsqrt(deg), 0.0)
    norm = dinv[s] * dinv[d]
    h = x @ W
    msg = h[s] * norm[:, None]
    out = jax.ops.segment_sum(msg, d, num_segments=n)
    return out + b


def reference(x, adj_t, W1, b1, W2, b2):
    # layer 1 + relu (dropout p=0.0, eval mode -> identity)
    h = gcn_layer(x, adj_t, W1, b1)
    h = jax.nn.relu(h)
    # final layer, no activation
    out = gcn_layer(h, adj_t, W2, b2)
    return out

if __name__ == "__main__":
    import jax
    _d = setup_inputs()
    print(jax.jit(kernel)(*tuple(_d.values())))

</pallas_src>

<mosaic_0001>
#map = affine_map<(d0, d1) -> (0, 0)>
#map1 = affine_map<(d0, d1) -> (0, 0, 0, 0)>
#map2 = affine_map<(d0, d1) -> (0, 0, 0)>
module attributes {stable_mosaic.version = 14 : i64} {
  func.func @_agg_body(%arg0: i32, %arg1: i32, %arg2: memref<10000x128xf32, #tpu.memory_space<hbm>>, %arg3: memref<32x80x2x125xi32, #tpu.memory_space<hbm>>, %arg4: memref<1000x128xf32, #tpu.memory_space<hbm>>, %arg5: memref<2x10000x128xf32, #tpu.memory_space<hbm>>, %arg6: memref<20x2x125xi32, #tpu.memory_space<vmem>>, %arg7: memref<253x128xf32, #tpu.memory_space<vmem>>, %arg8: memref<!tpu.dma_semaphore, #tpu.memory_space<semaphore_mem>>, %arg9: memref<!tpu.dma_semaphore, #tpu.memory_space<semaphore_mem>>, %arg10: memref<10000x128xf32, #tpu.memory_space<vmem_shared>>) attributes {dimension_semantics = [#tpu.dimension_semantics<core_parallel>, #tpu.dimension_semantics<subcore_parallel>], iteration_bounds = array<i64: 2, 16>, scalar_prefetch = 0 : i64, scratch_operands = 5 : i64, tpu.core_type = #tpu.core_type<sc_vector_subcore>, window_params = [{transform_indices = #map}, {transform_indices = #map1}, {transform_indices = #map}, {transform_indices = #map2}]} {
    %mul3A = arith.constant 16 : i32
    %mul3A_0 = arith.muli %arg0, %mul3A : i32
    %add3A = arith.addi %mul3A_0, %arg1 : i32
    %lt3A = arith.constant 10 : i32
    %lt3A_1 = arith.cmpi slt, %arg1, %lt3A : i32
    %convert_element_type3A = arith.extui %lt3A_1 : i1 to i32
    %cond3A = arith.constant 0 : i32
    %cond3A_2 = arith.cmpi ne, %convert_element_type3A, %cond3A : i32
    scf.if %cond3A_2 {
      %mul3A_14 = arith.constant 1000 : i32
      %mul3A_15 = arith.muli %arg1, %mul3A_14 : i32
      "tpu.region"() ({
        %run_scoped3A = tpu.sem_alloc : memref<!tpu.dma_semaphore, #tpu.memory_space<semaphore_mem>>
        %dma_start3A = arith.constant 0 : i32
        %dma_start3A_16 = tpu.memref_slice %arg10[%mul3A_15, %dma_start3A] : memref<10000x128xf32, #tpu.memory_space<vmem_shared>> -> memref<1000x128xf32, #tpu.memory_space<vmem_shared>>
        tpu.enqueue_dma source(%arg4 : memref<1000x128xf32, #tpu.memory_space<hbm>>) target(%dma_start3A_16 : memref<1000x128xf32, #tpu.memory_space<vmem_shared>>) target_semaphore(%run_scoped3A : memref<!tpu.dma_semaphore, #tpu.memory_space<semaphore_mem>>)
        %dma_wait3A = arith.constant 0 : i32
        %dma_wait3A_17 = tpu.memref_slice %arg10[%mul3A_15, %dma_wait3A] : memref<10000x128xf32, #tpu.memory_space<vmem_shared>> -> memref<1000x128xf32, #tpu.memory_space<vmem_shared>>
        tpu.wait_dma2 semaphore(%run_scoped3A : memref<!tpu.dma_semaphore, #tpu.memory_space<semaphore_mem>>) src(%arg4 : memref<1000x128xf32, #tpu.memory_space<hbm>>) dst(%dma_wait3A_17 : memref<1000x128xf32, #tpu.memory_space<vmem_shared>>)
        tpu.yield
      }) : () -> ()
    } else {
    }
    %barrier3A = arith.constant 0 : index
    tpu.barrier barrier_id(%barrier3A)
    %scan3A = arith.constant 0 : i32
    %scan3A_3 = arith.constant 0 : i32
    %scan3A_4 = arith.constant 4 : i32
    %scan3A_5 = arith.addi %scan3A_3, %scan3A_4 : i32
    %scan3A_6 = arith.constant 1 : i32
    scf.for %scan3A_14 = %scan3A_3 to %scan3A_5 step %scan3A_6  : i32 {
      %mul3A_15 = arith.constant 20 : i32
      %mul3A_16 = arith.muli %scan3A_14, %mul3A_15 : i32
      "tpu.region"() ({
        %run_scoped3A = tpu.sem_alloc : memref<!tpu.dma_semaphore, #tpu.memory_space<semaphore_mem>>
        %dma_start3A_47 = arith.constant 0 : i32
        %dma_start3A_48 = arith.constant 0 : i32
        %dma_start3A_49 = tpu.memref_slice %arg3[%add3A, %mul3A_16, %dma_start3A_47, %dma_start3A_48] : memref<32x80x2x125xi32, #tpu.memory_space<hbm>> -> memref<1x20x2x125xi32, #tpu.memory_space<hbm>>
        %dma_start3A_50 = tpu.memref_squeeze %dma_start3A_49 : memref<1x20x2x125xi32, #tpu.memory_space<hbm>> -> memref<20x2x125xi32, #tpu.memory_space<hbm>>
        %dma_start3A_51 = arith.constant 0 : i32
        %dma_start3A_52 = arith.constant 0 : i32
        %dma_start3A_53 = tpu.memref_slice %arg3[%add3A, %mul3A_16, %dma_start3A_51, %dma_start3A_52] : memref<32x80x2x125xi32, #tpu.memory_space<hbm>> -> memref<1x20x2x125xi32, #tpu.memory_space<hbm>>
        %dma_start3A_54 = tpu.memref_squeeze %dma_start3A_53 : memref<1x20x2x125xi32, #tpu.memory_space<hbm>> -> memref<20x2x125xi32, #tpu.memory_space<hbm>>
        tpu.enqueue_dma source(%dma_start3A_54 : memref<20x2x125xi32, #tpu.memory_space<hbm>>) target(%arg6 : memref<20x2x125xi32, #tpu.memory_space<vmem>>) target_semaphore(%run_scoped3A : memref<!tpu.dma_semaphore, #tpu.memory_space<semaphore_mem>>)
        %dma_wait3A_55 = arith.constant 0 : i32
        %dma_wait3A_56 = arith.constant 0 : i32
        %dma_wait3A_57 = tpu.memref_slice %arg3[%add3A, %mul3A_16, %dma_wait3A_55, %dma_wait3A_56] : memref<32x80x2x125xi32, #tpu.memory_space<hbm>> -> memref<1x20x2x125xi32, #tpu.memory_space<hbm>>
        %dma_wait3A_58 = tpu.memref_squeeze %dma_wait3A_57 : memref<1x20x2x125xi32, #tpu.memory_space<hbm>> -> memref<20x2x125xi32, #tpu.memory_space<hbm>>
        %dma_wait3A_59 = arith.constant 0 : i32
        %dma_wait3A_60 = arith.constant 0 : i32
        %dma_wait3A_61 = tpu.memref_slice %arg3[%add3A, %mul3A_16, %dma_wait3A_59, %dma_wait3A_60] : memref<32x80x2x125xi32, #tpu.memory_space<hbm>> -> memref<1x20x2x125xi32, #tpu.memory_space<hbm>>
        %dma_wait3A_62 = tpu.memref_squeeze %dma_wait3A_61 : memref<1x20x2x125xi32, #tpu.memory_space<hbm>> -> memref<20x2x125xi32, #tpu.memory_space<hbm>>
        tpu.wait_dma2 semaphore(%run_scoped3A : memref<!tpu.dma_semaphore, #tpu.memory_space<semaphore_mem>>) src(%dma_wait3A_62 : memref<20x2x125xi32, #tpu.memory_space<hbm>>) dst(%arg6 : memref<20x2x125xi32, #tpu.memory_space<vmem>>)
        tpu.yield
      }) : () -> ()
      %multiple_of3A = arith.constant 0 : i32
      %multiple_of3A_17 = tpu.assume_multiple %multiple_of3A, 8 : i32
      %dma_start3A = arith.constant 0 : i32
      %dma_start3A_18 = arith.constant 0 : i32
      %dma_start3A_19 = arith.constant 0 : i32
      %dma_start3A_20 = tpu.memref_slice %arg7[%multiple_of3A_17, %dma_start3A_19] : memref<253x128xf32, #tpu.memory_space<vmem>> -> memref<125x128xf32, #tpu.memory_space<vmem>>
      %dma_start3A_21 = arith.constant 0 : i32
      %dma_start3A_22 = tpu.memref_slice %arg6[%dma_start3A, %dma_start3A_18, %dma_start3A_21] : memref<20x2x125xi32, #tpu.memory_space<vmem>> -> memref<1x1x125xi32, #tpu.memory_space<vmem>>
      %dma_start3A_23 = tpu.memref_squeeze %dma_start3A_22 : memref<1x1x125xi32, #tpu.memory_space<vmem>> -> memref<125xi32, #tpu.memory_space<vmem>>
      %dma_start3A_24 = arith.constant 0 : i32
      %dma_start3A_25 = arith.constant 0 : i32
      %dma_start3A_26 = tpu.memref_slice %arg2[%dma_start3A_24, %dma_start3A_25] : memref<10000x128xf32, #tpu.memory_space<hbm>> -> memref<10000x128xf32, #tpu.memory_space<hbm>>
      tpu.enqueue_indirect_dma source(%dma_start3A_26 : memref<10000x128xf32, #tpu.memory_space<hbm>>) target(%dma_start3A_20 : memref<125x128xf32, #tpu.memory_space<vmem>>) offsets(%dma_start3A_23 : memref<125xi32, #tpu.memory_space<vmem>>) semaphore(%arg8 : memref<!tpu.dma_semaphore, #tpu.memory_space<semaphore_mem>>)
      %scan3A_27 = arith.constant 0 : i32
      %scan3A_28 = arith.constant 0 : i32
      %scan3A_29 = arith.constant 20 : i32
      %scan3A_30 = arith.addi %scan3A_28, %scan3A_29 : i32
      %scan3A_31 = arith.constant 1 : i32
      scf.for %scan3A_47 = %scan3A_28 to %scan3A_30 step %scan3A_31  : i32 {
        %rem3A_48 = arith.constant 2 : i32
        %rem3A_49 = arith.remsi %scan3A_47, %rem3A_48 : i32
        %sub3A = arith.constant 1 : i32
        %sub3A_50 = arith.subi %sub3A, %rem3A_49 : i32
        %mul3A_51 = arith.constant 128 : i32
        %mul3A_52 = arith.muli %rem3A_49, %mul3A_51 : i32
        %multiple_of3A_53 = tpu.assume_multiple %mul3A_52, 8 : i32
        %dma_wait3A_54 = arith.constant 0 : i32
        %dma_wait3A_55 = arith.constant 0 : i32
        %dma_wait3A_56 = tpu.memref_slice %arg7[%multiple_of3A_53, %dma_wait3A_55] : memref<253x128xf32, #tpu.memory_space<vmem>> -> memref<125x128xf32, #tpu.memory_space<vmem>>
        %dma_wait3A_57 = arith.constant 0 : i32
        %dma_wait3A_58 = tpu.memref_slice %arg6[%scan3A_47, %dma_wait3A_54, %dma_wait3A_57] : memref<20x2x125xi32, #tpu.memory_space<vmem>> -> memref<1x1x125xi32, #tpu.memory_space<vmem>>
        %dma_wait3A_59 = tpu.memref_squeeze %dma_wait3A_58 : memref<1x1x125xi32, #tpu.memory_space<vmem>> -> memref<125xi32, #tpu.memory_space<vmem>>
        %dma_wait3A_60 = arith.constant 0 : i32
        %dma_wait3A_61 = arith.constant 0 : i32
        %dma_wait3A_62 = tpu.memref_slice %arg2[%dma_wait3A_60, %dma_wait3A_61] : memref<10000x128xf32, #tpu.memory_space<hbm>> -> memref<10000x128xf32, #tpu.memory_space<hbm>>
        tpu.wait_indirect_dma semaphore(%arg8 : memref<!tpu.dma_semaphore, #tpu.memory_space<semaphore_mem>>) src(%dma_wait3A_62 : memref<10000x128xf32, #tpu.memory_space<hbm>>) dst(%dma_wait3A_56 : memref<125x128xf32, #tpu.memory_space<vmem>>)
        %ge3A = arith.constant 1 : i32
        %ge3A_63 = arith.cmpi sge, %scan3A_47, %ge3A : i32
        %convert_element_type3A_64 = arith.extui %ge3A_63 : i1 to i32
        %cond3A_65 = arith.constant 0 : i32
        %cond3A_66 = arith.cmpi ne, %convert_element_type3A_64, %cond3A_65 : i32
        scf.if %cond3A_66 {
          %mul3A_84 = arith.constant 128 : i32
          %mul3A_85 = arith.muli %sub3A_50, %mul3A_84 : i32
          %multiple_of3A_86 = tpu.assume_multiple %mul3A_85, 8 : i32
          %sub3A_87 = arith.constant 1 : i32
          %sub3A_88 = arith.subi %scan3A_47, %sub3A_87 : i32
          %dma_wait3A_89 = arith.constant 1 : i32
          %dma_wait3A_90 = arith.constant 0 : i32
          %dma_wait3A_91 = tpu.memref_slice %arg7[%multiple_of3A_86, %dma_wait3A_90] : memref<253x128xf32, #tpu.memory_space<vmem>> -> memref<125x128xf32, #tpu.memory_space<vmem>>
          %dma_wait3A_92 = arith.constant 0 : i32
          %dma_wait3A_93 = tpu.memref_slice %arg6[%sub3A_88, %dma_wait3A_89, %dma_wait3A_92] : memref<20x2x125xi32, #tpu.memory_space<vmem>> -> memref<1x1x125xi32, #tpu.memory_space<vmem>>
          %dma_wait3A_94 = tpu.memref_squeeze %dma_wait3A_93 : memref<1x1x125xi32, #tpu.memory_space<vmem>> -> memref<125xi32, #tpu.memory_space<vmem>>
          %dma_wait3A_95 = arith.constant 0 : i32
          %dma_wait3A_96 = arith.constant 0 : i32
          %dma_wait3A_97 = tpu.memref_slice %arg10[%dma_wait3A_95, %dma_wait3A_96] : memref<10000x128xf32, #tpu.memory_space<vmem_shared>> -> memref<10000x128xf32, #tpu.memory_space<vmem_shared>>
          tpu.wait_indirect_dma semaphore(%arg9 : memref<!tpu.dma_semaphore, #tpu.memory_space<semaphore_mem>>) src(%dma_wait3A_91 : memref<125x128xf32, #tpu.memory_space<vmem>>) dst(%dma_wait3A_97 : memref<10000x128xf32, #tpu.memory_space<vmem_shared>>)
        } else {
        }
        %lt3A_67 = arith.constant 19 : i32
        %lt3A_68 = arith.cmpi slt, %scan3A_47, %lt3A_67 : i32
        %convert_element_type3A_69 = arith.extui %lt3A_68 : i1 to i32
        %cond3A_70 = arith.constant 0 : i32
        %cond3A_71 = arith.cmpi ne, %convert_element_type3A_69, %cond3A_70 : i32
        scf.if %cond3A_71 {
          %add3A_84 = arith.constant 1 : i32
          %add3A_85 = arith.addi %scan3A_47, %add3A_84 : i32
          %mul3A_86 = arith.constant 128 : i32
          %mul3A_87 = arith.muli %sub3A_50, %mul3A_86 : i32
          %multiple_of3A_88 = tpu.assume_multiple %mul3A_87, 8 : i32
          %dma_start3A_89 = arith.constant 0 : i32
          %dma_start3A_90 = arith.constant 0 : i32
          %dma_start3A_91 = tpu.memref_slice %arg7[%multiple_of3A_88, %dma_start3A_90] : memref<253x128xf32, #tpu.memory_space<vmem>> -> memref<125x128xf32, #tpu.memory_space<vmem>>
          %dma_start3A_92 = arith.constant 0 : i32
          %dma_start3A_93 = tpu.memref_slice %arg6[%add3A_85, %dma_start3A_89, %dma_start3A_92] : memref<20x2x125xi32, #tpu.memory_space<vmem>> -> memref<1x1x125xi32, #tpu.memory_space<vmem>>
          %dma_start3A_94 = tpu.memref_squeeze %dma_start3A_93 : memref<1x1x125xi32, #tpu.memory_space<vmem>> -> memref<125xi32, #tpu.memory_space<vmem>>
          %dma_start3A_95 = arith.constant 0 : i32
          %dma_start3A_96 = arith.constant 0 : i32
          %dma_start3A_97 = tpu.memref_slice %arg2[%dma_start3A_95, %dma_start3A_96] : memref<10000x128xf32, #tpu.memory_space<hbm>> -> memref<10000x128xf32, #tpu.memory_space<hbm>>
          tpu.enqueue_indirect_dma source(%dma_start3A_97 : memref<10000x128xf32, #tpu.memory_space<hbm>>) target(%dma_start3A_91 : memref<125x128xf32, #tpu.memory_space<vmem>>) offsets(%dma_start3A_94 : memref<125xi32, #tpu.memory_space<vmem>>) semaphore(%arg8 : memref<!tpu.dma_semaphore, #tpu.memory_space<semaphore_mem>>)
        } else {
        }
        %mul3A_72 = arith.constant 128 : i32
        %mul3A_73 = arith.muli %rem3A_49, %mul3A_72 : i32
        %multiple_of3A_74 = tpu.assume_multiple %mul3A_73, 8 : i32
        %dma_start3A_75 = arith.constant 1 : i32
        %dma_start3A_76 = arith.constant 0 : i32
        %dma_start3A_77 = tpu.memref_slice %arg7[%multiple_of3A_74, %dma_start3A_76] : memref<253x128xf32, #tpu.memory_space<vmem>> -> memref<125x128xf32, #tpu.memory_space<vmem>>
        %dma_start3A_78 = arith.constant 0 : i32
        %dma_start3A_79 = tpu.memref_slice %arg6[%scan3A_47, %dma_start3A_75, %dma_start3A_78] : memref<20x2x125xi32, #tpu.memory_space<vmem>> -> memref<1x1x125xi32, #tpu.memory_space<vmem>>
        %dma_start3A_80 = tpu.memref_squeeze %dma_start3A_79 : memref<1x1x125xi32, #tpu.memory_space<vmem>> -> memref<125xi32, #tpu.memory_space<vmem>>
        %dma_start3A_81 = arith.constant 0 : i32
        %dma_start3A_82 = arith.constant 0 : i32
        %dma_start3A_83 = tpu.memref_slice %arg10[%dma_start3A_81, %dma_start3A_82] : memref<10000x128xf32, #tpu.memory_space<vmem_shared>> -> memref<10000x128xf32, #tpu.memory_space<vmem_shared>>
        tpu.enqueue_indirect_dma source(%dma_start3A_77 : memref<125x128xf32, #tpu.memory_space<vmem>>) target(%dma_start3A_83 : memref<10000x128xf32, #tpu.memory_space<vmem_shared>>) offsets(%dma_start3A_80 : memref<125xi32, #tpu.memory_space<vmem>>) semaphore(%arg9 : memref<!tpu.dma_semaphore, #tpu.memory_space<semaphore_mem>>) {add = true}
      }
      %scan3A_32 = arith.constant 20 : i32
      %rem3A = arith.constant 19 : i32
      %rem3A_33 = arith.constant 2 : i32
      %rem3A_34 = arith.remsi %rem3A, %rem3A_33 : i32
      %mul3A_35 = arith.constant 128 : i32
      %mul3A_36 = arith.muli %rem3A_34, %mul3A_35 : i32
      %multiple_of3A_37 = tpu.assume_multiple %mul3A_36, 8 : i32
      %dma_wait3A = arith.constant 19 : i32
      %dma_wait3A_38 = arith.constant 1 : i32
      %dma_wait3A_39 = arith.constant 0 : i32
      %dma_wait3A_40 = tpu.memref_slice %arg7[%multiple_of3A_37, %dma_wait3A_39] : memref<253x128xf32, #tpu.memory_space<vmem>> -> memref<125x128xf32, #tpu.memory_space<vmem>>
      %dma_wait3A_41 = arith.constant 0 : i32
      %dma_wait3A_42 = tpu.memref_slice %arg6[%dma_wait3A, %dma_wait3A_38, %dma_wait3A_41] : memref<20x2x125xi32, #tpu.memory_space<vmem>> -> memref<1x1x125xi32, #tpu.memory_space<vmem>>
      %dma_wait3A_43 = tpu.memref_squeeze %dma_wait3A_42 : memref<1x1x125xi32, #tpu.memory_space<vmem>> -> memref<125xi32, #tpu.memory_space<vmem>>
      %dma_wait3A_44 = arith.constant 0 : i32
      %dma_wait3A_45 = arith.constant 0 : i32
      %dma_wait3A_46 = tpu.memref_slice %arg10[%dma_wait3A_44, %dma_wait3A_45] : memref<10000x128xf32, #tpu.memory_space<vmem_shared>> -> memref<10000x128xf32, #tpu.memory_space<vmem_shared>>
      tpu.wait_indirect_dma semaphore(%arg9 : memref<!tpu.dma_semaphore, #tpu.memory_space<semaphore_mem>>) src(%dma_wait3A_40 : memref<125x128xf32, #tpu.memory_space<vmem>>) dst(%dma_wait3A_46 : memref<10000x128xf32, #tpu.memory_space<vmem_shared>>)
    }
    %scan3A_7 = arith.constant 4 : i32
    %barrier3A_8 = arith.constant 0 : index
    tpu.barrier barrier_id(%barrier3A_8)
    %lt3A_9 = arith.constant 10 : i32
    %lt3A_10 = arith.cmpi slt, %arg1, %lt3A_9 : i32
    %convert_element_type3A_11 = arith.extui %lt3A_10 : i1 to i32
    %cond3A_12 = arith.constant 0 : i32
    %cond3A_13 = arith.cmpi ne, %convert_element_type3A_11, %cond3A_12 : i32
    scf.if %cond3A_13 {
      %mul3A_14 = arith.constant 1000 : i32
      %mul3A_15 = arith.muli %arg1, %mul3A_14 : i32
      %mul3A_16 = arith.constant 1000 : i32
      %mul3A_17 = arith.muli %arg1, %mul3A_16 : i32
      "tpu.region"() ({
        %run_scoped3A = tpu.sem_alloc : memref<!tpu.dma_semaphore, #tpu.memory_space<semaphore_mem>>
        %dma_start3A = arith.constant 0 : i32
        %dma_start3A_18 = tpu.memref_slice %arg5[%arg0, %mul3A_17, %dma_start3A] : memref<2x10000x128xf32, #tpu.memory_space<hbm>> -> memref<1x1000x128xf32, #tpu.memory_space<hbm>>
        %dma_start3A_19 = tpu.memref_squeeze %dma_start3A_18 : memref<1x1000x128xf32, #tpu.memory_space<hbm>> -> memref<1000x128xf32, #tpu.memory_space<hbm>>
        %dma_start3A_20 = arith.constant 0 : i32
        %dma_start3A_21 = tpu.memref_slice %arg10[%mul3A_15, %dma_start3A_20] : memref<10000x128xf32, #tpu.memory_space<vmem_shared>> -> memref<1000x128xf32, #tpu.memory_space<vmem_shared>>
        tpu.enqueue_dma source(%dma_start3A_21 : memref<1000x128xf32, #tpu.memory_space<vmem_shared>>) target(%dma_start3A_19 : memref<1000x128xf32, #tpu.memory_space<hbm>>) target_semaphore(%run_scoped3A : memref<!tpu.dma_semaphore, #tpu.memory_space<semaphore_mem>>)
        %dma_wait3A = arith.constant 0 : i32
        %dma_wait3A_22 = tpu.memref_slice %arg5[%arg0, %mul3A_17, %dma_wait3A] : memref<2x10000x128xf32, #tpu.memory_space<hbm>> -> memref<1x1000x128xf32, #tpu.memory_space<hbm>>
        %dma_wait3A_23 = tpu.memref_squeeze %dma_wait3A_22 : memref<1x1000x128xf32, #tpu.memory_space<hbm>> -> memref<1000x128xf32, #tpu.memory_space<hbm>>
        %dma_wait3A_24 = arith.constant 0 : i32
        %dma_wait3A_25 = tpu.memref_slice %arg10[%mul3A_15, %dma_wait3A_24] : memref<10000x128xf32, #tpu.memory_space<vmem_shared>> -> memref<1000x128xf32, #tpu.memory_space<vmem_shared>>
        tpu.wait_dma2 semaphore(%run_scoped3A : memref<!tpu.dma_semaphore, #tpu.memory_space<semaphore_mem>>) src(%dma_wait3A_25 : memref<1000x128xf32, #tpu.memory_space<vmem_shared>>) dst(%dma_wait3A_23 : memref<1000x128xf32, #tpu.memory_space<hbm>>)
        tpu.yield
      }) : () -> ()
    } else {
    }
    return
  }
}

#map = affine_map<(d0, d1) -> (0, 0, 0, 0)>
#map1 = affine_map<(d0, d1) -> (0)>
#map2 = affine_map<(d0, d1) -> (0, 0, 0)>
module attributes {stable_mosaic.version = 14 : i64} {
  func.func @_deg_body(%arg0: i32, %arg1: i32, %arg2: memref<32x80x2x125xi32, #tpu.memory_space<hbm>>, %arg3: memref<125xf32, #tpu.memory_space<hbm>>, %arg4: memref<640xf32, #tpu.memory_space<hbm>>, %arg5: memref<2x1x10240xf32, #tpu.memory_space<hbm>>, %arg6: memref<80x2x125xi32, #tpu.memory_space<vmem>>, %arg7: memref<125xf32, #tpu.memory_space<vmem>>, %arg8: memref<10240xf32, #tpu.memory_space<vmem_shared>>, %arg9: memref<!tpu.dma_semaphore, #tpu.memory_space<semaphore_mem>>, %arg10: memref<!tpu.dma_semaphore, #tpu.memory_space<semaphore_mem>>) attributes {dimension_semantics = [#tpu.dimension_semantics<core_parallel>, #tpu.dimension_semantics<subcore_parallel>], iteration_bounds = array<i64: 2, 16>, scalar_prefetch = 0 : i64, scratch_operands = 5 : i64, tpu.core_type = #tpu.core_type<sc_vector_subcore>, window_params = [{transform_indices = #map}, {transform_indices = #map1}, {transform_indices = #map1}, {transform_indices = #map2}]} {
    %mul3A = arith.constant 16 : i32
    %mul3A_0 = arith.muli %arg0, %mul3A : i32
    %add3A = arith.addi %mul3A_0, %arg1 : i32
    %dma_start3A = arith.constant 0 : i32
    %dma_start3A_1 = arith.constant 0 : i32
    %dma_start3A_2 = arith.constant 0 : i32
    %dma_start3A_3 = tpu.memref_slice %arg2[%add3A, %dma_start3A, %dma_start3A_1, %dma_start3A_2] : memref<32x80x2x125xi32, #tpu.memory_space<hbm>> -> memref<1x80x2x125xi32, #tpu.memory_space<hbm>>
    %dma_start3A_4 = tpu.memref_squeeze %dma_start3A_3 : memref<1x80x2x125xi32, #tpu.memory_space<hbm>> -> memref<80x2x125xi32, #tpu.memory_space<hbm>>
    %dma_start3A_5 = arith.constant 0 : i32
    %dma_start3A_6 = arith.constant 0 : i32
    %dma_start3A_7 = arith.constant 0 : i32
    %dma_start3A_8 = tpu.memref_slice %arg2[%add3A, %dma_start3A_5, %dma_start3A_6, %dma_start3A_7] : memref<32x80x2x125xi32, #tpu.memory_space<hbm>> -> memref<1x80x2x125xi32, #tpu.memory_space<hbm>>
    %dma_start3A_9 = tpu.memref_squeeze %dma_start3A_8 : memref<1x80x2x125xi32, #tpu.memory_space<hbm>> -> memref<80x2x125xi32, #tpu.memory_space<hbm>>
    tpu.enqueue_dma source(%dma_start3A_9 : memref<80x2x125xi32, #tpu.memory_space<hbm>>) target(%arg6 : memref<80x2x125xi32, #tpu.memory_space<vmem>>) target_semaphore(%arg9 : memref<!tpu.dma_semaphore, #tpu.memory_space<semaphore_mem>>)
    "tpu.region"() ({
      %run_scoped3A = tpu.sem_alloc : memref<!tpu.dma_semaphore, #tpu.memory_space<semaphore_mem>>
      tpu.enqueue_dma source(%arg3 : memref<125xf32, #tpu.memory_space<hbm>>) target(%arg7 : memref<125xf32, #tpu.memory_space<vmem>>) target_semaphore(%run_scoped3A : memref<!tpu.dma_semaphore, #tpu.memory_space<semaphore_mem>>)
      tpu.wait_dma2 semaphore(%run_scoped3A : memref<!tpu.dma_semaphore, #tpu.memory_space<semaphore_mem>>) src(%arg3 : memref<125xf32, #tpu.memory_space<hbm>>) dst(%arg7 : memref<125xf32, #tpu.memory_space<vmem>>)
      tpu.yield
    }) : () -> ()
    %mul3A_10 = arith.constant 640 : i32
    %mul3A_11 = arith.muli %arg1, %mul3A_10 : i32
    "tpu.region"() ({
      %run_scoped3A = tpu.sem_alloc : memref<!tpu.dma_semaphore, #tpu.memory_space<semaphore_mem>>
      %dma_start3A_35 = tpu.memref_slice %arg8[%mul3A_11] : memref<10240xf32, #tpu.memory_space<vmem_shared>> -> memref<640xf32, #tpu.memory_space<vmem_shared>>
      tpu.enqueue_dma source(%arg4 : memref<640xf32, #tpu.memory_space<hbm>>) target(%dma_start3A_35 : memref<640xf32, #tpu.memory_space<vmem_shared>>) target_semaphore(%run_scoped3A : memref<!tpu.dma_semaphore, #tpu.memory_space<semaphore_mem>>)
      %dma_wait3A_36 = tpu.memref_slice %arg8[%mul3A_11] : memref<10240xf32, #tpu.memory_space<vmem_shared>> -> memref<640xf32, #tpu.memory_space<vmem_shared>>
      tpu.wait_dma2 semaphore(%run_scoped3A : memref<!tpu.dma_semaphore, #tpu.memory_space<semaphore_mem>>) src(%arg4 : memref<640xf32, #tpu.memory_space<hbm>>) dst(%dma_wait3A_36 : memref<640xf32, #tpu.memory_space<vmem_shared>>)
      tpu.yield
    }) : () -> ()
    %dma_wait3A = arith.constant 0 : i32
    %dma_wait3A_12 = arith.constant 0 : i32
    %dma_wait3A_13 = arith.constant 0 : i32
    %dma_wait3A_14 = tpu.memref_slice %arg2[%add3A, %dma_wait3A, %dma_wait3A_12, %dma_wait3A_13] : memref<32x80x2x125xi32, #tpu.memory_space<hbm>> -> memref<1x80x2x125xi32, #tpu.memory_space<hbm>>
    %dma_wait3A_15 = tpu.memref_squeeze %dma_wait3A_14 : memref<1x80x2x125xi32, #tpu.memory_space<hbm>> -> memref<80x2x125xi32, #tpu.memory_space<hbm>>
    %dma_wait3A_16 = arith.constant 0 : i32
    %dma_wait3A_17 = arith.constant 0 : i32
    %dma_wait3A_18 = arith.constant 0 : i32
    %dma_wait3A_19 = tpu.memref_slice %arg2[%add3A, %dma_wait3A_16, %dma_wait3A_17, %dma_wait3A_18] : memref<32x80x2x125xi32, #tpu.memory_space<hbm>> -> memref<1x80x2x125xi32, #tpu.memory_space<hbm>>
    %dma_wait3A_20 = tpu.memref_squeeze %dma_wait3A_19 : memref<1x80x2x125xi32, #tpu.memory_space<hbm>> -> memref<80x2x125xi32, #tpu.memory_space<hbm>>
    tpu.wait_dma2 semaphore(%arg9 : memref<!tpu.dma_semaphore, #tpu.memory_space<semaphore_mem>>) src(%dma_wait3A_20 : memref<80x2x125xi32, #tpu.memory_space<hbm>>) dst(%arg6 : memref<80x2x125xi32, #tpu.memory_space<vmem>>)
    %barrier3A = arith.constant 0 : index
    tpu.barrier barrier_id(%barrier3A)
    %scan3A = arith.constant 0 : i32
    %scan3A_21 = arith.constant 0 : i32
    %scan3A_22 = arith.constant 80 : i32
    %scan3A_23 = arith.addi %scan3A_21, %scan3A_22 : i32
    %scan3A_24 = arith.constant 1 : i32
    scf.for %scan3A_35 = %scan3A_21 to %scan3A_23 step %scan3A_24  : i32 {
      %dma_start3A_36 = arith.constant 1 : i32
      %dma_start3A_37 = arith.constant 0 : i32
      %dma_start3A_38 = tpu.memref_slice %arg6[%scan3A_35, %dma_start3A_36, %dma_start3A_37] : memref<80x2x125xi32, #tpu.memory_space<vmem>> -> memref<1x1x125xi32, #tpu.memory_space<vmem>>
      %dma_start3A_39 = tpu.memref_squeeze %dma_start3A_38 : memref<1x1x125xi32, #tpu.memory_space<vmem>> -> memref<125xi32, #tpu.memory_space<vmem>>
      %dma_start3A_40 = arith.constant 0 : i32
      %dma_start3A_41 = tpu.memref_slice %arg8[%dma_start3A_40] : memref<10240xf32, #tpu.memory_space<vmem_shared>> -> memref<10240xf32, #tpu.memory_space<vmem_shared>>
      tpu.enqueue_indirect_dma source(%arg7 : memref<125xf32, #tpu.memory_space<vmem>>) target(%dma_start3A_41 : memref<10240xf32, #tpu.memory_space<vmem_shared>>) offsets(%dma_start3A_39 : memref<125xi32, #tpu.memory_space<vmem>>) semaphore(%arg10 : memref<!tpu.dma_semaphore, #tpu.memory_space<semaphore_mem>>) {add = true}
    }
    %scan3A_25 = arith.constant 80 : i32
    %scan3A_26 = arith.constant 0 : i32
    %scan3A_27 = arith.constant 0 : i32
    %scan3A_28 = arith.constant 80 : i32
    %scan3A_29 = arith.addi %scan3A_27, %scan3A_28 : i32
    %scan3A_30 = arith.constant 1 : i32
    scf.for %scan3A_35 = %scan3A_27 to %scan3A_29 step %scan3A_30  : i32 {
      %dma_wait3A_36 = arith.constant 1 : i32
      %dma_wait3A_37 = arith.constant 0 : i32
      %dma_wait3A_38 = tpu.memref_slice %arg6[%scan3A_35, %dma_wait3A_36, %dma_wait3A_37] : memref<80x2x125xi32, #tpu.memory_space<vmem>> -> memref<1x1x125xi32, #tpu.memory_space<vmem>>
      %dma_wait3A_39 = tpu.memref_squeeze %dma_wait3A_38 : memref<1x1x125xi32, #tpu.memory_space<vmem>> -> memref<125xi32, #tpu.memory_space<vmem>>
      %dma_wait3A_40 = arith.constant 0 : i32
      %dma_wait3A_41 = tpu.memref_slice %arg8[%dma_wait3A_40] : memref<10240xf32, #tpu.memory_space<vmem_shared>> -> memref<10240xf32, #tpu.memory_space<vmem_shared>>
      tpu.wait_indirect_dma semaphore(%arg10 : memref<!tpu.dma_semaphore, #tpu.memory_space<semaphore_mem>>) src(%arg7 : memref<125xf32, #tpu.memory_space<vmem>>) dst(%dma_wait3A_41 : memref<10240xf32, #tpu.memory_space<vmem_shared>>)
    }
    %scan3A_31 = arith.constant 80 : i32
    %barrier3A_32 = arith.constant 0 : index
    tpu.barrier barrier_id(%barrier3A_32)
    %lt3A = arith.constant 8 : i32
    %lt3A_33 = arith.cmpi slt, %arg1, %lt3A : i32
    %convert_element_type3A = arith.extui %lt3A_33 : i1 to i32
    %cond3A = arith.constant 0 : i32
    %cond3A_34 = arith.cmpi ne, %convert_element_type3A, %cond3A : i32
    scf.if %cond3A_34 {
      %mul3A_35 = arith.constant 1280 : i32
      %mul3A_36 = arith.muli %arg1, %mul3A_35 : i32
      %mul3A_37 = arith.constant 1280 : i32
      %mul3A_38 = arith.muli %arg1, %mul3A_37 : i32
      %run_scoped3A = arith.constant 0 : i32
      "tpu.region"() ({
        %run_scoped3A_39 = tpu.sem_alloc : memref<!tpu.dma_semaphore, #tpu.memory_space<semaphore_mem>>
        %dma_start3A_40 = tpu.memref_slice %arg5[%arg0, %run_scoped3A, %mul3A_38] : memref<2x1x10240xf32, #tpu.memory_space<hbm>> -> memref<1x1x1280xf32, #tpu.memory_space<hbm>>
        %dma_start3A_41 = tpu.memref_squeeze %dma_start3A_40 : memref<1x1x1280xf32, #tpu.memory_space<hbm>> -> memref<1280xf32, #tpu.memory_space<hbm>>
        %dma_start3A_42 = tpu.memref_slice %arg8[%mul3A_36] : memref<10240xf32, #tpu.memory_space<vmem_shared>> -> memref<1280xf32, #tpu.memory_space<vmem_shared>>
        tpu.enqueue_dma source(%dma_start3A_42 : memref<1280xf32, #tpu.memory_space<vmem_shared>>) target(%dma_start3A_41 : memref<1280xf32, #tpu.memory_space<hbm>>) target_semaphore(%run_scoped3A_39 : memref<!tpu.dma_semaphore, #tpu.memory_space<semaphore_mem>>)
        %dma_wait3A_43 = tpu.memref_slice %arg5[%arg0, %run_scoped3A, %mul3A_38] : memref<2x1x10240xf32, #tpu.memory_space<hbm>> -> memref<1x1x1280xf32, #tpu.memory_space<hbm>>
        %dma_wait3A_44 = tpu.memref_squeeze %dma_wait3A_43 : memref<1x1x1280xf32, #tpu.memory_space<hbm>> -> memref<1280xf32, #tpu.memory_space<hbm>>
        %dma_wait3A_45 = tpu.memref_slice %arg8[%mul3A_36] : memref<10240xf32, #tpu.memory_space<vmem_shared>> -> memref<1280xf32, #tpu.memory_space<vmem_shared>>
        tpu.wait_dma2 semaphore(%run_scoped3A_39 : memref<!tpu.dma_semaphore, #tpu.memory_space<semaphore_mem>>) src(%dma_wait3A_45 : memref<1280xf32, #tpu.memory_space<vmem_shared>>) dst(%dma_wait3A_44 : memref<1280xf32, #tpu.memory_space<hbm>>)
        tpu.yield
      }) : () -> ()
    } else {
    }
    return
  }
}

#map = affine_map<(d0, d1) -> (0, 0)>
#map1 = affine_map<(d0, d1) -> (0, 0, 0, 0)>
#map2 = affine_map<(d0, d1) -> (0, 0, 0)>
module attributes {stable_mosaic.version = 14 : i64} {
  func.func @_agg_body(%arg0: i32, %arg1: i32, %arg2: memref<10000x128xf32, #tpu.memory_space<hbm>>, %arg3: memref<32x80x2x125xi32, #tpu.memory_space<hbm>>, %arg4: memref<1000x128xf32, #tpu.memory_space<hbm>>, %arg5: memref<2x10000x128xf32, #tpu.memory_space<hbm>>, %arg6: memref<20x2x125xi32, #tpu.memory_space<vmem>>, %arg7: memref<253x128xf32, #tpu.memory_space<vmem>>, %arg8: memref<!tpu.dma_semaphore, #tpu.memory_space<semaphore_mem>>, %arg9: memref<!tpu.dma_semaphore, #tpu.memory_space<semaphore_mem>>, %arg10: memref<10000x128xf32, #tpu.memory_space<vmem_shared>>) attributes {dimension_semantics = [#tpu.dimension_semantics<core_parallel>, #tpu.dimension_semantics<subcore_parallel>], iteration_bounds = array<i64: 2, 16>, scalar_prefetch = 0 : i64, scratch_operands = 5 : i64, tpu.core_type = #tpu.core_type<sc_vector_subcore>, window_params = [{transform_indices = #map}, {transform_indices = #map1}, {transform_indices = #map}, {transform_indices = #map2}]} {
    %mul3A = arith.constant 16 : i32
    %mul3A_0 = arith.muli %arg0, %mul3A : i32
    %add3A = arith.addi %mul3A_0, %arg1 : i32
    %lt3A = arith.constant 10 : i32
    %lt3A_1 = arith.cmpi slt, %arg1, %lt3A : i32
    %convert_element_type3A = arith.extui %lt3A_1 : i1 to i32
    %cond3A = arith.constant 0 : i32
    %cond3A_2 = arith.cmpi ne, %convert_element_type3A, %cond3A : i32
    scf.if %cond3A_2 {
      %mul3A_14 = arith.constant 1000 : i32
      %mul3A_15 = arith.muli %arg1, %mul3A_14 : i32
      "tpu.region"() ({
        %run_scoped3A = tpu.sem_alloc : memref<!tpu.dma_semaphore, #tpu.memory_space<semaphore_mem>>
        %dma_start3A = arith.constant 0 : i32
        %dma_start3A_16 = tpu.memref_slice %arg10[%mul3A_15, %dma_start3A] : memref<10000x128xf32, #tpu.memory_space<vmem_shared>> -> memref<1000x128xf32, #tpu.memory_space<vmem_shared>>
        tpu.enqueue_dma source(%arg4 : memref<1000x128xf32, #tpu.memory_space<hbm>>) target(%dma_start3A_16 : memref<1000x128xf32, #tpu.memory_space<vmem_shared>>) target_semaphore(%run_scoped3A : memref<!tpu.dma_semaphore, #tpu.memory_space<semaphore_mem>>)
        %dma_wait3A = arith.constant 0 : i32
        %dma_wait3A_17 = tpu.memref_slice %arg10[%mul3A_15, %dma_wait3A] : memref<10000x128xf32, #tpu.memory_space<vmem_shared>> -> memref<1000x128xf32, #tpu.memory_space<vmem_shared>>
        tpu.wait_dma2 semaphore(%run_scoped3A : memref<!tpu.dma_semaphore, #tpu.memory_space<semaphore_mem>>) src(%arg4 : memref<1000x128xf32, #tpu.memory_space<hbm>>) dst(%dma_wait3A_17 : memref<1000x128xf32, #tpu.memory_space<vmem_shared>>)
        tpu.yield
      }) : () -> ()
    } else {
    }
    %barrier3A = arith.constant 0 : index
    tpu.barrier barrier_id(%barrier3A)
    %scan3A = arith.constant 0 : i32
    %scan3A_3 = arith.constant 0 : i32
    %scan3A_4 = arith.constant 4 : i32
    %scan3A_5 = arith.addi %scan3A_3, %scan3A_4 : i32
    %scan3A_6 = arith.constant 1 : i32
    scf.for %scan3A_14 = %scan3A_3 to %scan3A_5 step %scan3A_6  : i32 {
      %mul3A_15 = arith.constant 20 : i32
      %mul3A_16 = arith.muli %scan3A_14, %mul3A_15 : i32
      "tpu.region"() ({
        %run_scoped3A = tpu.sem_alloc : memref<!tpu.dma_semaphore, #tpu.memory_space<semaphore_mem>>
        %dma_start3A_47 = arith.constant 0 : i32
        %dma_start3A_48 = arith.constant 0 : i32
        %dma_start3A_49 = tpu.memref_slice %arg3[%add3A, %mul3A_16, %dma_start3A_47, %dma_start3A_48] : memref<32x80x2x125xi32, #tpu.memory_space<hbm>> -> memref<1x20x2x125xi32, #tpu.memory_space<hbm>>
        %dma_start3A_50 = tpu.memref_squeeze %dma_start3A_49 : memref<1x20x2x125xi32, #tpu.memory_space<hbm>> -> memref<20x2x125xi32, #tpu.memory_space<hbm>>
        %dma_start3A_51 = arith.constant 0 : i32
        %dma_start3A_52 = arith.constant 0 : i32
        %dma_start3A_53 = tpu.memref_slice %arg3[%add3A, %mul3A_16, %dma_start3A_51, %dma_start3A_52] : memref<32x80x2x125xi32, #tpu.memory_space<hbm>> -> memref<1x20x2x125xi32, #tpu.memory_space<hbm>>
        %dma_start3A_54 = tpu.memref_squeeze %dma_start3A_53 : memref<1x20x2x125xi32, #tpu.memory_space<hbm>> -> memref<20x2x125xi32, #tpu.memory_space<hbm>>
        tpu.enqueue_dma source(%dma_start3A_54 : memref<20x2x125xi32, #tpu.memory_space<hbm>>) target(%arg6 : memref<20x2x125xi32, #tpu.memory_space<vmem>>) target_semaphore(%run_scoped3A : memref<!tpu.dma_semaphore, #tpu.memory_space<semaphore_mem>>)
        %dma_wait3A_55 = arith.constant 0 : i32
        %dma_wait3A_56 = arith.constant 0 : i32
        %dma_wait3A_57 = tpu.memref_slice %arg3[%add3A, %mul3A_16, %dma_wait3A_55, %dma_wait3A_56] : memref<32x80x2x125xi32, #tpu.memory_space<hbm>> -> memref<1x20x2x125xi32, #tpu.memory_space<hbm>>
        %dma_wait3A_58 = tpu.memref_squeeze %dma_wait3A_57 : memref<1x20x2x125xi32, #tpu.memory_space<hbm>> -> memref<20x2x125xi32, #tpu.memory_space<hbm>>
        %dma_wait3A_59 = arith.constant 0 : i32
        %dma_wait3A_60 = arith.constant 0 : i32
        %dma_wait3A_61 = tpu.memref_slice %arg3[%add3A, %mul3A_16, %dma_wait3A_59, %dma_wait3A_60] : memref<32x80x2x125xi32, #tpu.memory_space<hbm>> -> memref<1x20x2x125xi32, #tpu.memory_space<hbm>>
        %dma_wait3A_62 = tpu.memref_squeeze %dma_wait3A_61 : memref<1x20x2x125xi32, #tpu.memory_space<hbm>> -> memref<20x2x125xi32, #tpu.memory_space<hbm>>
        tpu.wait_dma2 semaphore(%run_scoped3A : memref<!tpu.dma_semaphore, #tpu.memory_space<semaphore_mem>>) src(%dma_wait3A_62 : memref<20x2x125xi32, #tpu.memory_space<hbm>>) dst(%arg6 : memref<20x2x125xi32, #tpu.memory_space<vmem>>)
        tpu.yield
      }) : () -> ()
      %multiple_of3A = arith.constant 0 : i32
      %multiple_of3A_17 = tpu.assume_multiple %multiple_of3A, 8 : i32
      %dma_start3A = arith.constant 0 : i32
      %dma_start3A_18 = arith.constant 0 : i32
      %dma_start3A_19 = arith.constant 0 : i32
      %dma_start3A_20 = tpu.memref_slice %arg7[%multiple_of3A_17, %dma_start3A_19] : memref<253x128xf32, #tpu.memory_space<vmem>> -> memref<125x128xf32, #tpu.memory_space<vmem>>
      %dma_start3A_21 = arith.constant 0 : i32
      %dma_start3A_22 = tpu.memref_slice %arg6[%dma_start3A, %dma_start3A_18, %dma_start3A_21] : memref<20x2x125xi32, #tpu.memory_space<vmem>> -> memref<1x1x125xi32, #tpu.memory_space<vmem>>
      %dma_start3A_23 = tpu.memref_squeeze %dma_start3A_22 : memref<1x1x125xi32, #tpu.memory_space<vmem>> -> memref<125xi32, #tpu.memory_space<vmem>>
      %dma_start3A_24 = arith.constant 0 : i32
      %dma_start3A_25 = arith.constant 0 : i32
      %dma_start3A_26 = tpu.memref_slice %arg2[%dma_start3A_24, %dma_start3A_25] : memref<10000x128xf32, #tpu.memory_space<hbm>> -> memref<10000x128xf32, #tpu.memory_space<hbm>>
      tpu.enqueue_indirect_dma source(%dma_start3A_26 : memref<10000x128xf32, #tpu.memory_space<hbm>>) target(%dma_start3A_20 : memref<125x128xf32, #tpu.memory_space<vmem>>) offsets(%dma_start3A_23 : memref<125xi32, #tpu.memory_space<vmem>>) semaphore(%arg8 : memref<!tpu.dma_semaphore, #tpu.memory_space<semaphore_mem>>)
      %scan3A_27 = arith.constant 0 : i32
      %scan3A_28 = arith.constant 0 : i32
      %scan3A_29 = arith.constant 20 : i32
      %scan3A_30 = arith.addi %scan3A_28, %scan3A_29 : i32
      %scan3A_31 = arith.constant 1 : i32
      scf.for %scan3A_47 = %scan3A_28 to %scan3A_30 step %scan3A_31  : i32 {
        %rem3A_48 = arith.constant 2 : i32
        %rem3A_49 = arith.remsi %scan3A_47, %rem3A_48 : i32
        %sub3A = arith.constant 1 : i32
        %sub3A_50 = arith.subi %sub3A, %rem3A_49 : i32
        %mul3A_51 = arith.constant 128 : i32
        %mul3A_52 = arith.muli %rem3A_49, %mul3A_51 : i32
        %multiple_of3A_53 = tpu.assume_multiple %mul3A_52, 8 : i32
        %dma_wait3A_54 = arith.constant 0 : i32
        %dma_wait3A_55 = arith.constant 0 : i32
        %dma_wait3A_56 = tpu.memref_slice %arg7[%multiple_of3A_53, %dma_wait3A_55] : memref<253x128xf32, #tpu.memory_space<vmem>> -> memref<125x128xf32, #tpu.memory_space<vmem>>
        %dma_wait3A_57 = arith.constant 0 : i32
        %dma_wait3A_58 = tpu.memref_slice %arg6[%scan3A_47, %dma_wait3A_54, %dma_wait3A_57] : memref<20x2x125xi32, #tpu.memory_space<vmem>> -> memref<1x1x125xi32, #tpu.memory_space<vmem>>
        %dma_wait3A_59 = tpu.memref_squeeze %dma_wait3A_58 : memref<1x1x125xi32, #tpu.memory_space<vmem>> -> memref<125xi32, #tpu.memory_space<vmem>>
        %dma_wait3A_60 = arith.constant 0 : i32
        %dma_wait3A_61 = arith.constant 0 : i32
        %dma_wait3A_62 = tpu.memref_slice %arg2[%dma_wait3A_60, %dma_wait3A_61] : memref<10000x128xf32, #tpu.memory_space<hbm>> -> memref<10000x128xf32, #tpu.memory_space<hbm>>
        tpu.wait_indirect_dma semaphore(%arg8 : memref<!tpu.dma_semaphore, #tpu.memory_space<semaphore_mem>>) src(%dma_wait3A_62 : memref<10000x128xf32, #tpu.memory_space<hbm>>) dst(%dma_wait3A_56 : memref<125x128xf32, #tpu.memory_space<vmem>>)
        %ge3A = arith.constant 1 : i32
        %ge3A_63 = arith.cmpi sge, %scan3A_47, %ge3A : i32
        %convert_element_type3A_64 = arith.extui %ge3A_63 : i1 to i32
        %cond3A_65 = arith.constant 0 : i32
        %cond3A_66 = arith.cmpi ne, %convert_element_type3A_64, %cond3A_65 : i32
        scf.if %cond3A_66 {
          %mul3A_84 = arith.constant 128 : i32
          %mul3A_85 = arith.muli %sub3A_50, %mul3A_84 : i32
          %multiple_of3A_86 = tpu.assume_multiple %mul3A_85, 8 : i32
          %sub3A_87 = arith.constant 1 : i32
          %sub3A_88 = arith.subi %scan3A_47, %sub3A_87 : i32
          %dma_wait3A_89 = arith.constant 1 : i32
          %dma_wait3A_90 = arith.constant 0 : i32
          %dma_wait3A_91 = tpu.memref_slice %arg7[%multiple_of3A_86, %dma_wait3A_90] : memref<253x128xf32, #tpu.memory_space<vmem>> -> memref<125x128xf32, #tpu.memory_space<vmem>>
          %dma_wait3A_92 = arith.constant 0 : i32
          %dma_wait3A_93 = tpu.memref_slice %arg6[%sub3A_88, %dma_wait3A_89, %dma_wait3A_92] : memref<20x2x125xi32, #tpu.memory_space<vmem>> -> memref<1x1x125xi32, #tpu.memory_space<vmem>>
          %dma_wait3A_94 = tpu.memref_squeeze %dma_wait3A_93 : memref<1x1x125xi32, #tpu.memory_space<vmem>> -> memref<125xi32, #tpu.memory_space<vmem>>
          %dma_wait3A_95 = arith.constant 0 : i32
          %dma_wait3A_96 = arith.constant 0 : i32
          %dma_wait3A_97 = tpu.memref_slice %arg10[%dma_wait3A_95, %dma_wait3A_96] : memref<10000x128xf32, #tpu.memory_space<vmem_shared>> -> memref<10000x128xf32, #tpu.memory_space<vmem_shared>>
          tpu.wait_indirect_dma semaphore(%arg9 : memref<!tpu.dma_semaphore, #tpu.memory_space<semaphore_mem>>) src(%dma_wait3A_91 : memref<125x128xf32, #tpu.memory_space<vmem>>) dst(%dma_wait3A_97 : memref<10000x128xf32, #tpu.memory_space<vmem_shared>>)
        } else {
        }
        %lt3A_67 = arith.constant 19 : i32
        %lt3A_68 = arith.cmpi slt, %scan3A_47, %lt3A_67 : i32
        %convert_element_type3A_69 = arith.extui %lt3A_68 : i1 to i32
        %cond3A_70 = arith.constant 0 : i32
        %cond3A_71 = arith.cmpi ne, %convert_element_type3A_69, %cond3A_70 : i32
        scf.if %cond3A_71 {
          %add3A_84 = arith.constant 1 : i32
          %add3A_85 = arith.addi %scan3A_47, %add3A_84 : i32
          %mul3A_86 = arith.constant 128 : i32
          %mul3A_87 = arith.muli %sub3A_50, %mul3A_86 : i32
          %multiple_of3A_88 = tpu.assume_multiple %mul3A_87, 8 : i32
          %dma_start3A_89 = arith.constant 0 : i32
          %dma_start3A_90 = arith.constant 0 : i32
          %dma_start3A_91 = tpu.memref_slice %arg7[%multiple_of3A_88, %dma_start3A_90] : memref<253x128xf32, #tpu.memory_space<vmem>> -> memref<125x128xf32, #tpu.memory_space<vmem>>
          %dma_start3A_92 = arith.constant 0 : i32
          %dma_start3A_93 = tpu.memref_slice %arg6[%add3A_85, %dma_start3A_89, %dma_start3A_92] : memref<20x2x125xi32, #tpu.memory_space<vmem>> -> memref<1x1x125xi32, #tpu.memory_space<vmem>>
          %dma_start3A_94 = tpu.memref_squeeze %dma_start3A_93 : memref<1x1x125xi32, #tpu.memory_space<vmem>> -> memref<125xi32, #tpu.memory_space<vmem>>
          %dma_start3A_95 = arith.constant 0 : i32
          %dma_start3A_96 = arith.constant 0 : i32
          %dma_start3A_97 = tpu.memref_slice %arg2[%dma_start3A_95, %dma_start3A_96] : memref<10000x128xf32, #tpu.memory_space<hbm>> -> memref<10000x128xf32, #tpu.memory_space<hbm>>
          tpu.enqueue_indirect_dma source(%dma_start3A_97 : memref<10000x128xf32, #tpu.memory_space<hbm>>) target(%dma_start3A_91 : memref<125x128xf32, #tpu.memory_space<vmem>>) offsets(%dma_start3A_94 : memref<125xi32, #tpu.memory_space<vmem>>) semaphore(%arg8 : memref<!tpu.dma_semaphore, #tpu.memory_space<semaphore_mem>>)
        } else {
        }
        %mul3A_72 = arith.constant 128 : i32
        %mul3A_73 = arith.muli %rem3A_49, %mul3A_72 : i32
        %multiple_of3A_74 = tpu.assume_multiple %mul3A_73, 8 : i32
        %dma_start3A_75 = arith.constant 1 : i32
        %dma_start3A_76 = arith.constant 0 : i32
        %dma_start3A_77 = tpu.memref_slice %arg7[%multiple_of3A_74, %dma_start3A_76] : memref<253x128xf32, #tpu.memory_space<vmem>> -> memref<125x128xf32, #tpu.memory_space<vmem>>
        %dma_start3A_78 = arith.constant 0 : i32
        %dma_start3A_79 = tpu.memref_slice %arg6[%scan3A_47, %dma_start3A_75, %dma_start3A_78] : memref<20x2x125xi32, #tpu.memory_space<vmem>> -> memref<1x1x125xi32, #tpu.memory_space<vmem>>
        %dma_start3A_80 = tpu.memref_squeeze %dma_start3A_79 : memref<1x1x125xi32, #tpu.memory_space<vmem>> -> memref<125xi32, #tpu.memory_space<vmem>>
        %dma_start3A_81 = arith.constant 0 : i32
        %dma_start3A_82 = arith.constant 0 : i32
        %dma_start3A_83 = tpu.memref_slice %arg10[%dma_start3A_81, %dma_start3A_82] : memref<10000x128xf32, #tpu.memory_space<vmem_shared>> -> memref<10000x128xf32, #tpu.memory_space<vmem_shared>>
        tpu.enqueue_indirect_dma source(%dma_start3A_77 : memref<125x128xf32, #tpu.memory_space<vmem>>) target(%dma_start3A_83 : memref<10000x128xf32, #tpu.memory_space<vmem_shared>>) offsets(%dma_start3A_80 : memref<125xi32, #tpu.memory_space<vmem>>) semaphore(%arg9 : memref<!tpu.dma_semaphore, #tpu.memory_space<semaphore_mem>>) {add = true}
      }
      %scan3A_32 = arith.constant 20 : i32
      %rem3A = arith.constant 19 : i32
      %rem3A_33 = arith.constant 2 : i32
      %rem3A_34 = arith.remsi %rem3A, %rem3A_33 : i32
      %mul3A_35 = arith.constant 128 : i32
      %mul3A_36 = arith.muli %rem3A_34, %mul3A_35 : i32
      %multiple_of3A_37 = tpu.assume_multiple %mul3A_36, 8 : i32
      %dma_wait3A = arith.constant 19 : i32
      %dma_wait3A_38 = arith.constant 1 : i32
      %dma_wait3A_39 = arith.constant 0 : i32
      %dma_wait3A_40 = tpu.memref_slice %arg7[%multiple_of3A_37, %dma_wait3A_39] : memref<253x128xf32, #tpu.memory_space<vmem>> -> memref<125x128xf32, #tpu.memory_space<vmem>>
      %dma_wait3A_41 = arith.constant 0 : i32
      %dma_wait3A_42 = tpu.memref_slice %arg6[%dma_wait3A, %dma_wait3A_38, %dma_wait3A_41] : memref<20x2x125xi32, #tpu.memory_space<vmem>> -> memref<1x1x125xi32, #tpu.memory_space<vmem>>
      %dma_wait3A_43 = tpu.memref_squeeze %dma_wait3A_42 : memref<1x1x125xi32, #tpu.memory_space<vmem>> -> memref<125xi32, #tpu.memory_space<vmem>>
      %dma_wait3A_44 = arith.constant 0 : i32
      %dma_wait3A_45 = arith.constant 0 : i32
      %dma_wait3A_46 = tpu.memref_slice %arg10[%dma_wait3A_44, %dma_wait3A_45] : memref<10000x128xf32, #tpu.memory_space<vmem_shared>> -> memref<10000x128xf32, #tpu.memory_space<vmem_shared>>
      tpu.wait_indirect_dma semaphore(%arg9 : memref<!tpu.dma_semaphore, #tpu.memory_space<semaphore_mem>>) src(%dma_wait3A_40 : memref<125x128xf32, #tpu.memory_space<vmem>>) dst(%dma_wait3A_46 : memref<10000x128xf32, #tpu.memory_space<vmem_shared>>)
    }
    %scan3A_7 = arith.constant 4 : i32
    %barrier3A_8 = arith.constant 0 : index
    tpu.barrier barrier_id(%barrier3A_8)
    %lt3A_9 = arith.constant 10 : i32
    %lt3A_10 = arith.cmpi slt, %arg1, %lt3A_9 : i32
    %convert_element_type3A_11 = arith.extui %lt3A_10 : i1 to i32
    %cond3A_12 = arith.constant 0 : i32
    %cond3A_13 = arith.cmpi ne, %convert_element_type3A_11, %cond3A_12 : i32
    scf.if %cond3A_13 {
      %mul3A_14 = arith.constant 1000 : i32
      %mul3A_15 = arith.muli %arg1, %mul3A_14 : i32
      %mul3A_16 = arith.constant 1000 : i32
      %mul3A_17 = arith.muli %arg1, %mul3A_16 : i32
      "tpu.region"() ({
        %run_scoped3A = tpu.sem_alloc : memref<!tpu.dma_semaphore, #tpu.memory_space<semaphore_mem>>
        %dma_start3A = arith.constant 0 : i32
        %dma_start3A_18 = tpu.memref_slice %arg5[%arg0, %mul3A_17, %dma_start3A] : memref<2x10000x128xf32, #tpu.memory_space<hbm>> -> memref<1x1000x128xf32, #tpu.memory_space<hbm>>
        %dma_start3A_19 = tpu.memref_squeeze %dma_start3A_18 : memref<1x1000x128xf32, #tpu.memory_space<hbm>> -> memref<1000x128xf32, #tpu.memory_space<hbm>>
        %dma_start3A_20 = arith.constant 0 : i32
        %dma_start3A_21 = tpu.memref_slice %arg10[%mul3A_15, %dma_start3A_20] : memref<10000x128xf32, #tpu.memory_space<vmem_shared>> -> memref<1000x128xf32, #tpu.memory_space<vmem_shared>>
        tpu.enqueue_dma source(%dma_start3A_21 : memref<1000x128xf32, #tpu.memory_space<vmem_shared>>) target(%dma_start3A_19 : memref<1000x128xf32, #tpu.memory_space<hbm>>) target_semaphore(%run_scoped3A : memref<!tpu.dma_semaphore, #tpu.memory_space<semaphore_mem>>)
        %dma_wait3A = arith.constant 0 : i32
        %dma_wait3A_22 = tpu.memref_slice %arg5[%arg0, %mul3A_17, %dma_wait3A] : memref<2x10000x128xf32, #tpu.memory_space<hbm>> -> memref<1x1000x128xf32, #tpu.memory_space<hbm>>
        %dma_wait3A_23 = tpu.memref_squeeze %dma_wait3A_22 : memref<1x1000x128xf32, #tpu.memory_space<hbm>> -> memref<1000x128xf32, #tpu.memory_space<hbm>>
        %dma_wait3A_24 = arith.constant 0 : i32
        %dma_wait3A_25 = tpu.memref_slice %arg10[%mul3A_15, %dma_wait3A_24] : memref<10000x128xf32, #tpu.memory_space<vmem_shared>> -> memref<1000x128xf32, #tpu.memory_space<vmem_shared>>
        tpu.wait_dma2 semaphore(%run_scoped3A : memref<!tpu.dma_semaphore, #tpu.memory_space<semaphore_mem>>) src(%dma_wait3A_25 : memref<1000x128xf32, #tpu.memory_space<vmem_shared>>) dst(%dma_wait3A_23 : memref<1000x128xf32, #tpu.memory_space<hbm>>)
        tpu.yield
      }) : () -> ()
    } else {
    }
    return
  }
}

module attributes {stable_mosaic.version = 14 : i64} {
  func.func @_mm1_body(%arg0: i32, %arg1: memref<2000x128xf32, #tpu.memory_space<vmem>>, %arg2: memref<128x128xf32, #tpu.memory_space<vmem>>, %arg3: memref<2000x1xf32, #tpu.memory_space<vmem>>, %arg4: memref<2000x1xf32, #tpu.memory_space<vmem>>, %arg5: memref<2000x128xf32, #tpu.memory_space<vmem>>) attributes {dimension_semantics = [#tpu.dimension_semantics<arbitrary>], iteration_bounds = array<i64: 5>, scalar_prefetch = 0 : i64, scratch_operands = 0 : i64, tpu.core_type = #tpu.core_type<tc>, window_params = [{transform_indices = @transform_0, window_bounds = array<i64: 2000, 128>}, {pipeline_mode = #tpu.pipeline_mode<synchronous>, transform_indices = @transform_1, window_bounds = array<i64: 128, 128>}, {transform_indices = @transform_2, window_bounds = array<i64: 2000, 1>}, {transform_indices = @transform_3, window_bounds = array<i64: 2000, 1>}, {transform_indices = @transform_4, window_bounds = array<i64: 2000, 128>}]} {
    %get3A = arith.constant 0 : index
    %get3A_0 = arith.constant 0 : index
    %get3A_1 = vector.load %arg3[%get3A, %get3A_0] : memref<2000x1xf32, #tpu.memory_space<vmem>>, vector<2000x1xf32>
    %get3A_2 = arith.constant 0 : index
    %get3A_3 = arith.constant 0 : index
    %get3A_4 = vector.load %arg4[%get3A_2, %get3A_3] : memref<2000x1xf32, #tpu.memory_space<vmem>>, vector<2000x1xf32>
    %add3A = arith.addf %get3A_1, %get3A_4 : vector<2000x1xf32>
    %add3A_5 = arith.constant 1.000000e+00 : f32
    %add3A_6 = vector.broadcast %add3A_5 : f32 to vector<2000x1xf32>
    %add3A_7 = arith.addf %add3A, %add3A_6 : vector<2000x1xf32>
    %rsqrt3A = math.rsqrt %add3A_7 : vector<2000x1xf32>
    %get3A_8 = arith.constant 0 : index
    %get3A_9 = arith.constant 0 : index
    %get3A_10 = vector.load %arg1[%get3A_8, %get3A_9] : memref<2000x128xf32, #tpu.memory_space<vmem>>, vector<2000x128xf32>
    %get3A_11 = arith.constant 0 : index
    %get3A_12 = arith.constant 0 : index
    %get3A_13 = vector.load %arg2[%get3A_11, %get3A_12] : memref<128x128xf32, #tpu.memory_space<vmem>>, vector<128x128xf32>
    %dot_general3A = arith.constant dense<0.000000e+00> : vector<2000x128xf32>
    %dot_general3A_14 = tpu.matmul %get3A_10, %get3A_13, %dot_general3A {dimension_numbers = #tpu.dot_dimension_numbers<[1], [0], [0], [1], [0, 0, 1, 1], [], []>, transpose_lhs_hint = false} : vector<2000x128xf32>, vector<128x128xf32>, vector<2000x128xf32> -> vector<2000x128xf32>
    %mul3A = vector.broadcast %rsqrt3A : vector<2000x1xf32> to vector<2000x128xf32>
    %mul3A_15 = arith.mulf %mul3A, %dot_general3A_14 : vector<2000x128xf32>
    %swap3A = arith.constant 0 : index
    %swap3A_16 = arith.constant 0 : index
    %swap3A_17 = vector.load %arg5[%swap3A, %swap3A_16] : memref<2000x128xf32, #tpu.memory_space<vmem>>, vector<2000x128xf32>
    tpu.vector_store %arg5[%swap3A, %swap3A_16], %mul3A_15 {strides = array<i32>} : memref<2000x128xf32, #tpu.memory_space<vmem>>, vector<2000x128xf32>,
    return
  }
  func.func @transform_0(%arg0: i32) -> (i32, i32) {
    %c0_i32 = arith.constant 0 : i32
    %c0_i32_0 = arith.constant 0 : i32
    return %arg0, %c0_i32 : i32, i32
  }
  func.func @transform_1(%arg0: i32) -> (i32, i32) {
    %c0_i32 = arith.constant 0 : i32
    %c0_i32_0 = arith.constant 0 : i32
    %c0_i32_1 = arith.constant 0 : i32
    return %c0_i32, %c0_i32_0 : i32, i32
  }
  func.func @transform_2(%arg0: i32) -> (i32, i32) {
    %c0_i32 = arith.constant 0 : i32
    %c0_i32_0 = arith.constant 0 : i32
    return %arg0, %c0_i32 : i32, i32
  }
  func.func @transform_3(%arg0: i32) -> (i32, i32) {
    %c0_i32 = arith.constant 0 : i32
    %c0_i32_0 = arith.constant 0 : i32
    return %arg0, %c0_i32 : i32, i32
  }
  func.func @transform_4(%arg0: i32) -> (i32, i32) {
    %c0_i32 = arith.constant 0 : i32
    %c0_i32_0 = arith.constant 0 : i32
    return %arg0, %c0_i32 : i32, i32
  }
}

module attributes {stable_mosaic.version = 14 : i64} {
  func.func @_mm2_body(%arg0: i32, %arg1: memref<2000x128xf32, #tpu.memory_space<vmem>>, %arg2: memref<2000x128xf32, #tpu.memory_space<vmem>>, %arg3: memref<2000x128xf32, #tpu.memory_space<vmem>>, %arg4: memref<2000x1xf32, #tpu.memory_space<vmem>>, %arg5: memref<2000x1xf32, #tpu.memory_space<vmem>>, %arg6: memref<1x128xf32, #tpu.memory_space<vmem>>, %arg7: memref<128x128xf32, #tpu.memory_space<vmem>>, %arg8: memref<2000x128xf32, #tpu.memory_space<vmem>>) attributes {dimension_semantics = [#tpu.dimension_semantics<arbitrary>], iteration_bounds = array<i64: 5>, scalar_prefetch = 0 : i64, scratch_operands = 0 : i64, tpu.core_type = #tpu.core_type<tc>, window_params = [{transform_indices = @transform_0, window_bounds = array<i64: 2000, 128>}, {transform_indices = @transform_1, window_bounds = array<i64: 2000, 128>}, {transform_indices = @transform_2, window_bounds = array<i64: 2000, 128>}, {transform_indices = @transform_3, window_bounds = array<i64: 2000, 1>}, {transform_indices = @transform_4, window_bounds = array<i64: 2000, 1>}, {pipeline_mode = #tpu.pipeline_mode<synchronous>, transform_indices = @transform_5, window_bounds = array<i64: 1, 128>}, {pipeline_mode = #tpu.pipeline_mode<synchronous>, transform_indices = @transform_6, window_bounds = array<i64: 128, 128>}, {transform_indices = @transform_7, window_bounds = array<i64: 2000, 128>}]} {
    %get3A = arith.constant 0 : index
    %get3A_0 = arith.constant 0 : index
    %get3A_1 = vector.load %arg4[%get3A, %get3A_0] : memref<2000x1xf32, #tpu.memory_space<vmem>>, vector<2000x1xf32>
    %get3A_2 = arith.constant 0 : index
    %get3A_3 = arith.constant 0 : index
    %get3A_4 = vector.load %arg5[%get3A_2, %get3A_3] : memref<2000x1xf32, #tpu.memory_space<vmem>>, vector<2000x1xf32>
    %add3A = arith.addf %get3A_1, %get3A_4 : vector<2000x1xf32>
    %add3A_5 = arith.constant 1.000000e+00 : f32
    %add3A_6 = vector.broadcast %add3A_5 : f32 to vector<2000x1xf32>
    %add3A_7 = arith.addf %add3A, %add3A_6 : vector<2000x1xf32>
    %rsqrt3A = math.rsqrt %add3A_7 : vector<2000x1xf32>
    %get3A_8 = arith.constant 0 : index
    %get3A_9 = arith.constant 0 : index
    %get3A_10 = vector.load %arg1[%get3A_8, %get3A_9] : memref<2000x128xf32, #tpu.memory_space<vmem>>, vector<2000x128xf32>
    %get3A_11 = arith.constant 0 : index
    %get3A_12 = arith.constant 0 : index
    %get3A_13 = vector.load %arg2[%get3A_11, %get3A_12] : memref<2000x128xf32, #tpu.memory_space<vmem>>, vector<2000x128xf32>
    %add3A_14 = arith.addf %get3A_10, %get3A_13 : vector<2000x128xf32>
    %get3A_15 = arith.constant 0 : index
    %get3A_16 = arith.constant 0 : index
    %get3A_17 = vector.load %arg3[%get3A_15, %get3A_16] : memref<2000x128xf32, #tpu.memory_space<vmem>>, vector<2000x128xf32>
    %add3A_18 = arith.addf %add3A_14, %get3A_17 : vector<2000x128xf32>
    %mul3A = vector.broadcast %rsqrt3A : vector<2000x1xf32> to vector<2000x128xf32>
    %mul3A_19 = arith.mulf %mul3A, %add3A_18 : vector<2000x128xf32>
    %get3A_20 = arith.constant 0 : index
    %get3A_21 = arith.constant 0 : index
    %get3A_22 = vector.load %arg6[%get3A_20, %get3A_21] : memref<1x128xf32, #tpu.memory_space<vmem>>, vector<1x128xf32>
    %add3A_23 = vector.broadcast %get3A_22 : vector<1x128xf32> to vector<2000x128xf32>
    %add3A_24 = arith.addf %mul3A_19, %add3A_23 : vector<2000x128xf32>
    %max3A = arith.constant 0.000000e+00 : f32
    %max3A_25 = vector.broadcast %max3A : f32 to vector<2000x128xf32>
    %max3A_26 = arith.maximumf %add3A_24, %max3A_25 : vector<2000x128xf32>
    %get3A_27 = arith.constant 0 : index
    %get3A_28 = arith.constant 0 : index
    %get3A_29 = vector.load %arg7[%get3A_27, %get3A_28] : memref<128x128xf32, #tpu.memory_space<vmem>>, vector<128x128xf32>
    %dot_general3A = arith.constant dense<0.000000e+00> : vector<2000x128xf32>
    %dot_general3A_30 = tpu.matmul %max3A_26, %get3A_29, %dot_general3A {dimension_numbers = #tpu.dot_dimension_numbers<[1], [0], [0], [1], [0, 0, 1, 1], [], []>, transpose_lhs_hint = false} : vector<2000x128xf32>, vector<128x128xf32>, vector<2000x128xf32> -> vector<2000x128xf32>
    %mul3A_31 = vector.broadcast %rsqrt3A : vector<2000x1xf32> to vector<2000x128xf32>
    %mul3A_32 = arith.mulf %mul3A_31, %dot_general3A_30 : vector<2000x128xf32>
    %swap3A = arith.constant 0 : index
    %swap3A_33 = arith.constant 0 : index
    %swap3A_34 = vector.load %arg8[%swap3A, %swap3A_33] : memref<2000x128xf32, #tpu.memory_space<vmem>>, vector<2000x128xf32>
    tpu.vector_store %arg8[%swap3A, %swap3A_33], %mul3A_32 {strides = array<i32>} : memref<2000x128xf32, #tpu.memory_space<vmem>>, vector<2000x128xf32>,
    return
  }
  func.func @transform_0(%arg0: i32) -> (i32, i32) {
    %c0_i32 = arith.constant 0 : i32
    %c0_i32_0 = arith.constant 0 : i32
    return %arg0, %c0_i32 : i32, i32
  }
  func.func @transform_1(%arg0: i32) -> (i32, i32) {
    %c0_i32 = arith.constant 0 : i32
    %c0_i32_0 = arith.constant 0 : i32
    return %arg0, %c0_i32 : i32, i32
  }
  func.func @transform_2(%arg0: i32) -> (i32, i32) {
    %c0_i32 = arith.constant 0 : i32
    %c0_i32_0 = arith.constant 0 : i32
    return %arg0, %c0_i32 : i32, i32
  }
  func.func @transform_3(%arg0: i32) -> (i32, i32) {
    %c0_i32 = arith.constant 0 : i32
    %c0_i32_0 = arith.constant 0 : i32
    return %arg0, %c0_i32 : i32, i32
  }
  func.func @transform_4(%arg0: i32) -> (i32, i32) {
    %c0_i32 = arith.constant 0 : i32
    %c0_i32_0 = arith.constant 0 : i32
    return %arg0, %c0_i32 : i32, i32
  }
  func.func @transform_5(%arg0: i32) -> (i32, i32) {
    %c0_i32 = arith.constant 0 : i32
    %c0_i32_0 = arith.constant 0 : i32
    %c0_i32_1 = arith.constant 0 : i32
    return %c0_i32, %c0_i32_0 : i32, i32
  }
  func.func @transform_6(%arg0: i32) -> (i32, i32) {
    %c0_i32 = arith.constant 0 : i32
    %c0_i32_0 = arith.constant 0 : i32
    %c0_i32_1 = arith.constant 0 : i32
    return %c0_i32, %c0_i32_0 : i32, i32
  }
  func.func @transform_7(%arg0: i32) -> (i32, i32) {
    %c0_i32 = arith.constant 0 : i32
    %c0_i32_0 = arith.constant 0 : i32
    return %arg0, %c0_i32 : i32, i32
  }
}

module attributes {stable_mosaic.version = 14 : i64} {
  func.func @_fin_body(%arg0: i32, %arg1: memref<2000x128xf32, #tpu.memory_space<vmem>>, %arg2: memref<2000x128xf32, #tpu.memory_space<vmem>>, %arg3: memref<2000x128xf32, #tpu.memory_space<vmem>>, %arg4: memref<2000x1xf32, #tpu.memory_space<vmem>>, %arg5: memref<2000x1xf32, #tpu.memory_space<vmem>>, %arg6: memref<1x128xf32, #tpu.memory_space<vmem>>, %arg7: memref<2000x128xf32, #tpu.memory_space<vmem>>) attributes {dimension_semantics = [#tpu.dimension_semantics<arbitrary>], iteration_bounds = array<i64: 5>, scalar_prefetch = 0 : i64, scratch_operands = 0 : i64, tpu.core_type = #tpu.core_type<tc>, window_params = [{transform_indices = @transform_0, window_bounds = array<i64: 2000, 128>}, {transform_indices = @transform_1, window_bounds = array<i64: 2000, 128>}, {transform_indices = @transform_2, window_bounds = array<i64: 2000, 128>}, {transform_indices = @transform_3, window_bounds = array<i64: 2000, 1>}, {transform_indices = @transform_4, window_bounds = array<i64: 2000, 1>}, {pipeline_mode = #tpu.pipeline_mode<synchronous>, transform_indices = @transform_5, window_bounds = array<i64: 1, 128>}, {transform_indices = @transform_6, window_bounds = array<i64: 2000, 128>}]} {
    %get3A = arith.constant 0 : index
    %get3A_0 = arith.constant 0 : index
    %get3A_1 = vector.load %arg4[%get3A, %get3A_0] : memref<2000x1xf32, #tpu.memory_space<vmem>>, vector<2000x1xf32>
    %get3A_2 = arith.constant 0 : index
    %get3A_3 = arith.constant 0 : index
    %get3A_4 = vector.load %arg5[%get3A_2, %get3A_3] : memref<2000x1xf32, #tpu.memory_space<vmem>>, vector<2000x1xf32>
    %add3A = arith.addf %get3A_1, %get3A_4 : vector<2000x1xf32>
    %add3A_5 = arith.constant 1.000000e+00 : f32
    %add3A_6 = vector.broadcast %add3A_5 : f32 to vector<2000x1xf32>
    %add3A_7 = arith.addf %add3A, %add3A_6 : vector<2000x1xf32>
    %rsqrt3A = math.rsqrt %add3A_7 : vector<2000x1xf32>
    %get3A_8 = arith.constant 0 : index
    %get3A_9 = arith.constant 0 : index
    %get3A_10 = vector.load %arg1[%get3A_8, %get3A_9] : memref<2000x128xf32, #tpu.memory_space<vmem>>, vector<2000x128xf32>
    %get3A_11 = arith.constant 0 : index
    %get3A_12 = arith.constant 0 : index
    %get3A_13 = vector.load %arg2[%get3A_11, %get3A_12] : memref<2000x128xf32, #tpu.memory_space<vmem>>, vector<2000x128xf32>
    %add3A_14 = arith.addf %get3A_10, %get3A_13 : vector<2000x128xf32>
    %get3A_15 = arith.constant 0 : index
    %get3A_16 = arith.constant 0 : index
    %get3A_17 = vector.load %arg3[%get3A_15, %get3A_16] : memref<2000x128xf32, #tpu.memory_space<vmem>>, vector<2000x128xf32>
    %add3A_18 = arith.addf %add3A_14, %get3A_17 : vector<2000x128xf32>
    %mul3A = vector.broadcast %rsqrt3A : vector<2000x1xf32> to vector<2000x128xf32>
    %mul3A_19 = arith.mulf %mul3A, %add3A_18 : vector<2000x128xf32>
    %get3A_20 = arith.constant 0 : index
    %get3A_21 = arith.constant 0 : index
    %get3A_22 = vector.load %arg6[%get3A_20, %get3A_21] : memref<1x128xf32, #tpu.memory_space<vmem>>, vector<1x128xf32>
    %add3A_23 = vector.broadcast %get3A_22 : vector<1x128xf32> to vector<2000x128xf32>
    %add3A_24 = arith.addf %mul3A_19, %add3A_23 : vector<2000x128xf32>
    %swap3A = arith.constant 0 : index
    %swap3A_25 = arith.constant 0 : index
    %swap3A_26 = vector.load %arg7[%swap3A, %swap3A_25] : memref<2000x128xf32, #tpu.memory_space<vmem>>, vector<2000x128xf32>
    tpu.vector_store %arg7[%swap3A, %swap3A_25], %add3A_24 {strides = array<i32>} : memref<2000x128xf32, #tpu.memory_space<vmem>>, vector<2000x128xf32>,
    return
  }
  func.func @transform_0(%arg0: i32) -> (i32, i32) {
    %c0_i32 = arith.constant 0 : i32
    %c0_i32_0 = arith.constant 0 : i32
    return %arg0, %c0_i32 : i32, i32
  }
  func.func @transform_1(%arg0: i32) -> (i32, i32) {
    %c0_i32 = arith.constant 0 : i32
    %c0_i32_0 = arith.constant 0 : i32
    return %arg0, %c0_i32 : i32, i32
  }
  func.func @transform_2(%arg0: i32) -> (i32, i32) {
    %c0_i32 = arith.constant 0 : i32
    %c0_i32_0 = arith.constant 0 : i32
    return %arg0, %c0_i32 : i32, i32
  }
  func.func @transform_3(%arg0: i32) -> (i32, i32) {
    %c0_i32 = arith.constant 0 : i32
    %c0_i32_0 = arith.constant 0 : i32
    return %arg0, %c0_i32 : i32, i32
  }
  func.func @transform_4(%arg0: i32) -> (i32, i32) {
    %c0_i32 = arith.constant 0 : i32
    %c0_i32_0 = arith.constant 0 : i32
    return %arg0, %c0_i32 : i32, i32
  }
  func.func @transform_5(%arg0: i32) -> (i32, i32) {
    %c0_i32 = arith.constant 0 : i32
    %c0_i32_0 = arith.constant 0 : i32
    %c0_i32_1 = arith.constant 0 : i32
    return %c0_i32, %c0_i32_0 : i32, i32
  }
  func.func @transform_6(%arg0: i32) -> (i32, i32) {
    %c0_i32 = arith.constant 0 : i32
    %c0_i32_0 = arith.constant 0 : i32
    return %arg0, %c0_i32 : i32, i32
  }
}

</mosaic_0001>

<sc_bundles>
// kernel: kernel.11.cloned.1.call-start
scs
__scs_entry_jumppad:
0x0: {  	(pc) =	sbr.rel $0x88, $3  }
0x1: {  	(tag) =	ssettag $0x0;
	lr =	simm.s32 $0x1  }
0x2: {  	[smem:$0x3F9B] =	sst lr;
	_ =	strace $0xD0000000  }
0x3: {  	_ = 	snop  }
0x4: {  	_ = 	snop  }
0x5: {  	_ = 	snop  }
0x6: {  	_ = 	snop  }
0x7: {  	_ = 	snop  }
__scs_overlays_trampoline_lowered:
0x8: {  	[smem:$0x3FAA] =	sst s0  }
0x9: {  	[smem:$0x3FAB] =	sst s1  }
0xa: {  	[smem:$0x3FAC] =	sst s2  }
0xb: {  	[smem:$0x3FAD] =	sst s3  }
0xc: {  	[smem:$0x3FAE] =	sst s4  }
0xd: {  	[smem:$0x3FAF] =	sst s5  }
0xe: {  	[smem:$0x3FB0] =	sst s6  }
0xf: {  	[smem:$0x3FB1] =	sst s7  }
0x10: {  	[smem:$0x3FB2] =	sst s8  }
0x11: {  	[smem:$0x3FB3] =	sst s9;
	s0 =	simm.s32 @!p0 $0x0  }
0x12: {  	s1 =	sld [smem:$0x3F99];
	s0 =	simm.s32 @p0 $0x1  }
0x13: {  	[smem:$0x3FB4] =	sst s0;
	s0 =	simm.s32 @!p1 $0x0  }
0x14: {  	s2 =	sld [smem:$0x3F98];
	s0 =	simm.s32 @p1 $0x1  }
0x15: {  	[smem:$0x3FB5] =	sst s0;
	s0 =	simm.s32 @!p2 $0x0  }
0x16: {  	s3 =	sld [smem:$0x3FDB];
	s0 =	simm.s32 @p2 $0x1  }
0x17: {  	s4 =	simm.s32 $0x1BF5;
	[smem:$0x3FB7] =	sst s0  }
0x18: {  	s0 =	sld [smem:$0x3F9A];
	_ =	swait.ge [sflag:s4], $0x0  }
0x19: {  	s7 =	sld [smem:$0x3F9B]  }
0x1a: {  	s8 =	sadd.s32 $0xFFFFE003, lr  }
0x1b: {  	s9 =	sadd.s32 $0xFFFFFEF7, lr;
	s5 =	simm.s32 $0xFFFFFFFF;
	p2 =	slt.u32 s8, $0xFFFFF086  }
0x1c: {  	p1 =	slt.u32 s9, $0xF7A;
	s5 =	simm.s32 @!p2 $0x0  }
0x1d: {  	s5 =	simm.s32 @p1 $0x1;
	p0 =	seq.s32 s7, s2  }
0x1e: {  	s7 =	smul.u32 @!p0 $0xF7A, s2;
	p2 =	seq.s32 @!p0 s5, $0x0  }
0x1f: {  	s9 =	smul.u32 $0xF7A, s1;
	s8 =	simm.s32 @!p0 $0x1BF5;
	p2 =	por !p2, p0  }
0x20: {  	[sflag:s8] =	ssyncset.s32 @!p0 $0xFFFFF086;
	s6 =	sadd.s32 @!p0 s3, s7;
	s7 =	simm.s32 @!p0 $0x108  }
0x21: {  	s3 =	sadd.s32 s3, s9;
	s6 =	sadd.s32 @!p0 $0x88, s6;
	s7 =	simm.s32 @p2 $0x1082  }
0x22: {  	[simem:s7], [sflag:s8] =	dma.local @!p0 [hbm:s6], $0xF7A  }
0x23: {  	s9 =	sor.u32 $0xD0000000, s2;
	s6 =	simm.s32 $0x108;
	_ =	swait.ge @!p0 [sflag:s8], $0x0  }
0x24: {  	s3 =	sadd.s32 $0x88, s3;
	s6 =	simm.s32 @!p1 $0x1082;
	[sflag:s4] =	ssyncset.s32 $0xFFFFF086  }
0x25: {  	[simem:s6], [sflag:s4] =	dma.local [hbm:s3], $0xF7A  }
0x26: {  	[smem:$0x3F9B] =	sst s1;
	(tag) =	ssettag s2;
	_ =	strace s9  }
0x27: {  	s1 =	sld [smem:$0x3FAB]  }
0x28: {  	s2 =	sld [smem:$0x3FAC]  }
0x29: {  	s4 =	sld [smem:$0x3FAE]  }
0x2a: {  	p0 =	seq.s32 s5, $0x0;
	s5 =	sld [smem:$0x3FAF]  }
0x2b: {  	s6 =	sld [smem:$0x3FB0]  }
0x2c: {  	s7 =	sld [smem:$0x3FB1]  }
0x2d: {  	s3 =	simm.s32 $0x108;
	s8 =	sld [smem:$0x3FB2]  }
0x2e: {  	s3 =	simm.s32 @!p0 $0x1082;
	s9 =	sld [smem:$0x3FB3]  }
0x2f: {  	lr =	sadd.s32 s0, s3;
	s0 =	sld [smem:$0x3FAA]  }
0x30: {  	s3 =	sld [smem:$0x3FAD]  }
0x31: {  	[smem:$0x3FB6] =	sst s10  }
0x32: {  	s10 =	sld [smem:$0x3FB4];
	_ =	sdelay $0x3  }
0x33: {  	p0 =	seq.s32 s10, $0x1;
	s10 =	sld [smem:$0x3FB6];
	_ =	sdelay $0x3  }
0x34: {  	[smem:$0x3FB6] =	sst s10  }
0x35: {  	s10 =	sld [smem:$0x3FB5];
	_ =	sdelay $0x3  }
0x36: {  	p1 =	seq.s32 s10, $0x1;
	s10 =	sld [smem:$0x3FB6];
	_ =	sdelay $0x3  }
0x37: {  	[smem:$0x3FB6] =	sst s10  }
0x38: {  	s10 =	sld [smem:$0x3FB7]  }
0x39: {  	_ = 	snop;
	(pc) =	sbr.ind lr, $3  }
0x3a: {  	_ = 	snop  }
0x3b: {  	_ = 	snop  }
0x3c: {  	p2 =	seq.s32 s10, $0x1;
	s10 =	sld [smem:$0x3FB6]  }
0x3d: {  	_ =	shalt  }
0x3e: {  	_ =	shalt  }
0x3f: {  	_ =	shalt  }
0x40: {  	_ =	shalt  }
0x41: {  	_ =	shalt  }
0x42: {  	_ =	shalt  }
0x43: {  	_ =	shalt  }
0x44: {  	_ =	shalt  }
0x45: {  	_ =	shalt  }
0x46: {  	_ =	shalt  }
0x47: {  	_ =	shalt  }
0x48: {  	_ =	shalt  }
0x49: {  	_ =	shalt  }
0x4a: {  	_ =	shalt  }
0x4b: {  	_ =	shalt  }
0x4c: {  	_ =	shalt  }
0x4d: {  	_ =	shalt  }
0x4e: {  	_ =	shalt  }
0x4f: {  	_ =	shalt  }
0x50: {  	_ =	shalt  }
0x51: {  	_ =	shalt  }
0x52: {  	_ =	shalt  }
0x53: {  	_ =	shalt  }
0x54: {  	_ =	shalt  }
0x55: {  	_ =	shalt  }
0x56: {  	_ =	shalt  }
0x57: {  	_ =	shalt  }
0x58: {  	_ =	shalt  }
0x59: {  	_ =	shalt  }
0x5a: {  	_ =	shalt  }
0x5b: {  	_ =	shalt  }
0x5c: {  	_ =	shalt  }
0x5d: {  	_ =	shalt  }
0x5e: {  	_ =	shalt  }
0x5f: {  	_ =	shalt  }
0x60: {  	_ =	shalt  }
0x61: {  	_ =	shalt  }
0x62: {  	_ =	shalt  }
0x63: {  	_ =	shalt  }
0x64: {  	_ =	shalt  }
0x65: {  	_ =	shalt  }
0x66: {  	_ =	shalt  }
0x67: {  	_ =	shalt  }
0x68: {  	_ =	shalt  }
0x69: {  	_ =	shalt  }
0x6a: {  	_ =	shalt  }
0x6b: {  	_ =	shalt  }
0x6c: {  	_ =	shalt  }
0x6d: {  	_ =	shalt  }
0x6e: {  	_ =	shalt  }
0x6f: {  	_ =	shalt  }
0x70: {  	_ =	shalt  }
0x71: {  	_ =	shalt  }
0x72: {  	_ =	shalt  }
0x73: {  	_ =	shalt  }
0x74: {  	_ =	shalt  }
0x75: {  	_ =	shalt  }
0x76: {  	_ =	shalt  }
0x77: {  	_ =	shalt  }
0x78: {  	_ =	shalt  }
0x79: {  	_ =	shalt  }
0x7a: {  	_ =	shalt  }
0x7b: {  	_ =	shalt  }
0x7c: {  	_ =	shalt  }
0x7d: {  	_ =	shalt  }
0x7e: {  	_ =	shalt  }
0x7f: {  	_ =	shalt  }
0x80: {  	_ =	shalt  }
0x81: {  	_ =	shalt  }
0x82: {  	_ =	shalt  }
0x83: {  	_ =	shalt  }
0x84: {  	_ =	shalt  }
0x85: {  	_ =	shalt  }
0x86: {  	_ =	shalt  }
0x87: {  	_ =	shalt  }
.Lfunc_end0:
.L_simem_size_0:
called_computation.1_lowered:
.L_overlay_start_0:
0x88: {  	s2 =	sld [smem:$0x3FD9]  }
0x89: {  	s3 =	sld [smem:$0x3FFE];
	_ =	sdelay $0x1  }
0x8a: {  	s1 =	srdreg.scid  }
0x8b: {  	s0 =	sand.u32 $0x1, s1  }
0x8c: {  	s17 =	sshll.u32 s0, $0xA;
	s2 =	sadd.s32 s3, s2  }
0x8d: {  	s2 =	sadd.s32 s2, s17  }
0x8e: {  	[smem:$0x3FC2] =	sst s2  }
0x8f: {  	_ = 	snop  }
0x90: {  	s2 =	sld [smem:$0x3FD0];
	(tm) =	ssettm $0x1  }
0x91: {  	s18 =	sld [smem:$0x3FFB];
	_ =	sdelay $0x3  }
0x92: {  	_ =	strace s18  }
0x93: {  	s3 =	sld [smem:$0x3FFC];
	_ =	sdelay $0x3  }
0x94: {  	_ =	strace s3  }
0x95: {  	s3 =	sld [smem:$0x3FFD];
	_ =	sdelay $0x3  }
0x96: {  	_ =	strace s3  }
0x97: {  	_ =	strace $0x8FFFFFFF  }
0x98: {  	s19 =	sld [smem:$0x3FDB];
	_ =	sdelay $0x1  }
0x99: {  	s4 =	simm.s32 $_scs_section_size  }
0x9a: {  	s5 =	simm.s32 $_size__tile_overlayer_lowered;
	s6 =	simm.s32 $_tile_overlayer_lowered  }
0x9b: {  	s22 =	simm.s32 $0x1BFF;
	s21 =	sshll.u32 s6, $0x1;
	s3 =	sadd.s32 s4, s19  }
0x9c: {  	s7 =	simm.s32 $0x0;
	s20 =	sshll.u32 s5, $0x1;
	s5 =	sadd.s32 s21, s3  }
0x9d: {  	[timem:s7], [sflag:s22] =	dma.local [hbm:s5], s20  }
0x9e: {  	_ =	swait.ge [sflag:s22], s20  }
0x9f: {  	s4 =	ssub.s32 $0x0, s20;
	[sflag:s22] =	ssyncset.done $0x0  }
0xa0: {  	[sflag:s22] =	ssyncadd.s32 s4;
	_ =	sdelay $0x1  }
0xa1: {  	s23 =	simm.s32 $0x1B8B  }
0xa2: {  	_ =	swait.ge [sflag:s23], $0x1  }
0xa3: {  	[sflag:s23] =	ssyncset.done $0x0  }
0xa4: {  	s25 =	simm.s32 $0x1B8E;
	s24 =	sld [smem:$0x3FFE];
	[sflag:s23] =	ssyncadd.s32 $0xFFFFFFFF  }
0xa5: {  	s26 =	simm.s32 $execute0_lowered;
	[smem:$0x3FD2] =	sst s25  }
0xa6: {  	s5 =	sshll.u32 s26, $0x1;
	_ =	strace $0x80000049;
	[dreg:$0x1] =	wrdreg $0xFFFFFFFF  }
0xa7: {  	s28 =	simm.s32 $_size_execute0_lowered;
	s3 =	sadd.s32 s3, s5;
	[dreg:$0x0] =	wrdreg $0x0  }
0xa8: {  	s5 =	sshll.u32 s28, $0x1;
	[dreg:$0x2] =	wrdreg s3  }
0xa9: {  	[dreg:$0x3] =	wrdreg s5  }
0xaa: {  	[dreg:$0x4] =	wrdreg $0xC0  }
0xab: {  	_ =	task [dreg:s7], $0x5FFFF  }
0xac: {  	[dreg:$0x1] =	wrdreg $0xFFFFFFFF  }
0xad: {  	[dreg:$0x0] =	wrdreg $0x60  }
0xae: {  	[dreg:$0x2] =	wrdreg s2  }
0xaf: {  	[dreg:$0x3] =	wrdreg s24  }
0xb0: {  	[dreg:$0x4] =	wrdreg $0x94000  }
0xb1: {  	[dreg:$0x5] =	wrdreg $0x9  }
0xb2: {  	_ =	task.clear_ibuf [dreg:s7], $0x6FFFF;
	_ =	strace $0x90000049  }
0xb3: {  	s29 =	simm.s32 $0x9;
	_ =	strace $0x8000004B  }
0xb4: {  	_ =	swait.ge [sflag:s29], $0x1  }
0xb5: {  	[sflag:s29] =	ssyncadd.s32 $0xFFFFFFFF  }
0xb6: {  	_ =	strace $0x9000004B  }
0xb7: {  	_ =	sfence  }
0xb8: {  	s30 =	sld [smem:$0x0];
	_ =	sdelay $0x2  }
0xb9: {  	s31 =	sshll.u32 s1, $0xD;
	s1 =	sshrl.u32 s1, $0x2  }
0xba: {  	s3 =	sand.u32 $0x4000, s31;
	s1 =	sadd.s32 s1, s30  }
0xbb: {  	s0 =	sor.u32 s3, s0;
	s1 =	sshll.u32 s1, $0x11  }
0xbc: {  	s0 =	sor.u32 s1, s0  }
0xbd: {  	s0 =	sadd.s32 $0x8F2B, s0  }
0xbe: {  	[sflag:s0] =	ssyncadd.remote.s32 $0x1  }
0xbf: {  	_ =	sfence.sel $0xFFFF  }
0xc0: {  	[dreg:$0x0] =	wrdreg $0xFFFFFFFF;
	(pc) =	sbr.abs _section_cstart, $3  }
0xc1: {  	[dreg:$0x1] =	wrdreg $0xFFFFFFFF  }
0xc2: {  	_ =	task.clear_ibuf [dreg:s7], $0x2FFFF;
	_ =	strace $0x9FFFFFFF  }
0xc3: {  	(tm) =	ssettm $0x7FFFFFFF  }
tec
execute0_lowered:
.L_overlay_start_1:
0x0: {  	(tag) =	ssettag $0x1  }
0x1: {  	s0 =	rddreg [dreg:$0x0]  }
0x2: {  	s7 =	rddreg [dreg:$0x1];
	s1 =	srdreg.scid  }
0x3: {  	s3 =	rddreg [dreg:$0x2];
	s2 =	stileid.u32  }
0x4: {  	s4 =	simm.s32 $0x0;
	s13 =	simm.s32 $0x7D;
	s14 =	simm.s32 $0x1400  }
0x5: {  	s15 =	simm.s32 $0x100;
	s16 =	simm.s32 $0x80;
	s17 =	simm.s32 $0x1  }
0x6: {  	s18 =	simm.s32 $0x2;
	s19 =	simm.s32 $0x1380;
	s20 =	simm.s32 $0x0  }
0x7: {  	s8 =	sand.u32 $0x1, s1;
	s9 =	smul.u32 $0x1F400, s2;
	[smem:$0x7FF] =	sst s4  }
0x8: {  	s5 =	sadd.s32 $0x3C00, s7;
	s11 =	smul.u32 $0x7D000, s2;
	p0 =	sgt.u32 s2, $0x9  }
0x9: {  	s1 =	rddreg [dreg:$0x3];
	s6 =	smul.u32 $0x138800, s8;
	_ =	strace $0x8000004A  }
0xa: {  	s10 =	ssub.s32 $0x2, s8;
	s30 =	sshll.u32 s8, $0x4;
	s12 =	sshll.u32 @!p0 s2, $0x6  }
0xb: {  	s29 =	sshrl.u32 s10, $0x1;
	s31 =	sshrl.u32 s11, $0x2;
	s6 =	sadd.s32 s9, s6  }
0xc: {  	s10 =	ssub.s32 s10, s29;
	s11 =	sadd.s32 s31, s3;
	s9 =	sshrl.u32 s6, $0x3  }
0xd: {  	s6 =	sadd.s32 $0x66000, s7;
	s9 =	sadd.s32 s9, s7;
	s7 =	sor.u32 s2, s30  }
0xe: {  	s11 =	sshrl.u32 @!p0 s11, $0x3;
	s7 =	smul.u32 $0x5000, s7;
	s8 =	sadd.s32 $0x6A000, s9  }
0xf: {  	s9 =	smax.u32 s10, $0x1;
	s10 =	sor.u32 @!p0 $0x1C03, s12;
	s12 =	simm.s32 $0x3  }
.LBB2_1:
0x10: {  	[spmem:s11], [sflag:s10] =	dma.local @!p0 [hbm:s6], $0x3E80  }
0x11: {  	s21 =	simm.s32 @!p0 $0x3  }
0x12: {  	_ =	swait.ge @!p0 [sflag:s21], $0x3E80  }
0x13: {  	[sflag:s21] =	ssyncset.done @!p0 $0x0  }
0x14: {  	[sflag:s21] =	ssyncadd.s32 @!p0 $0xFFFFC180  }
0x15: {  	s21 =	simm.s32 $0x0;
	[bflag:$0x0] =	sbarrier.arrive $0xFFFF  }
.LBB2_2:
0x16: {  	s22 =	smul.u32 $0x1400, s21;
	_ =	sdelay $0x1  }
0x17: {  	s22 =	sadd.s32 s7, s22  }
0x18: {  	s22 =	sshrl.u32 s22, $0x3  }
0x19: {  	s22 =	sadd.s32 s5, s22  }
0x1a: {  	[tilespmem:s4], [sflag:$0x3] =	stream.linear.gather [hbm4b:s22+s4], $0x1400, $0x38;
	[tilespmem:$0x1CC80] =	vst v63  }
0x1b: {  	_ =	swait.ge [sflag:s12], $0x1400  }
0x1c: {  	[sflag:s12] =	ssyncset.done $0x0  }
0x1d: {  	s26 =	simm.s32 $0x1;
	[sflag:s12] =	ssyncadd.s32 $0xFFFFEC00  }
0x1e: {  	[tilespmem:s14], [sflag:$0x1] =	stream.indirect.gather [hbm4b:s0+s13], $0x80, s4, s13, $0xb8;
	[tilespmem:$0x1CC80] =	vst v63  }
0x1f: {  	_ =	swait.ge [sflag:s26], $0x3E80  }
0x20: {  	[sflag:s26] =	ssyncset.done $0x0  }
0x21: {  	s23 =	simm.s32 $0x5400;
	[sflag:s26] =	ssyncadd.s32 $0xFFFFC180  }
0x22: {  	[tilespmem:s23], [sflag:$0x1] =	stream.indirect.gather [hbm4b:s0+s13], $0x80, s15, s13, $0xb8;
	[tilespmem:$0x1CC80] =	vst v63  }
0x23: {  	_ = 	snop  }
0x24: {  	[spmem:s3] =	stream.indirect.scatter.add.f32 [tilespmem:s14], [sflag:$0x2], $0x80, s16, s13, $0xb8;
	[tilespmem:$0x1CC80] =	vst v63  }
0x25: {  	_ =	swait.ge [sflag:s26], $0x3E80  }
0x26: {  	[sflag:s26] =	ssyncset.done $0x0  }
0x27: {  	s28 =	simm.s32 $0x2;
	[sflag:s26] =	ssyncadd.s32 $0xFFFFC180  }
0x28: {  	_ =	swait.ge [sflag:s28], $0x3E80  }
0x29: {  	[sflag:s28] =	ssyncset.done $0x0  }
0x2a: {  	s30 =	simm.s32 $0x200;
	s24 =	simm.s32 $0x1400;
	[sflag:s28] =	ssyncadd.s32 $0xFFFFC180  }
0x2b: {  	[tilespmem:s24], [sflag:$0x1] =	stream.indirect.gather [hbm4b:s0+s13], $0x80, s30, s13, $0xb8;
	[tilespmem:$0x1CC80] =	vst v63  }
0x2c: {  	s31 =	simm.s32 $0x180  }
0x2d: {  	[spmem:s3] =	stream.indirect.scatter.add.f32 [tilespmem:s23], [sflag:$0x2], $0x80, s31, s13, $0xb8;
	[tilespmem:$0x1CC80] =	vst v63  }
0x2e: {  	_ =	swait.ge [sflag:s17], $0x3E80  }
0x2f: {  	s25 =	simm.s32 $0x380;
	s22 =	simm.s32 $0x3;
	[sflag:s17] =	ssyncset.done $0x0  }
0x30: {  	s26 =	simm.s32 $0x300;
	s28 =	sand.u32 $0x1, s28;
	[sflag:s17] =	ssyncadd.s32 $0xFFFFC180  }
0x31: {  	s24 =	simm.s32 $0x4;
	s29 =	sshll.u32 s28, $0xE;
	_ =	swait.ge [sflag:s18], $0x3E80  }
0x32: {  	s28 =	sshll.u32 s28, $0xE;
	s23 =	simm.s32 $0x280;
	[sflag:s18] =	ssyncset.done $0x0  }
.LBB2_3:
0x33: {  	s30 =	sadd.s32 $0x80, s25;
	s29 =	ssub.s32 $0x5400, s29  }
0x34: {  	[sflag:s18] =	ssyncadd.s32 $0xFFFFC180;
	s31 =	smov.u32 s22;
	s22 =	smov.u32 s24  }
0x35: {  	[tilespmem:s29], [sflag:$0x1] =	stream.indirect.gather [hbm4b:s0+s13], $0x80, s26, s13, $0xb8;
	[tilespmem:$0x1CC80] =	vst v63  }
0x36: {  	p1 =	sne.s32 s24, $0x13;
	s24 =	sadd.s32 $0x1, s24;
	s26 =	sor.u32 $0x1400, s28  }
0x37: {  	[spmem:s3] =	stream.indirect.scatter.add.f32 [tilespmem:s26], [sflag:$0x2], $0x80, s23, s13, $0xb8;
	[tilespmem:$0x1CC80] =	vst v63  }
.Ltmp0:
0x38: {  	s26 =	smov.u32 s30;
	_ =	swait.ge [sflag:s17], $0x3E80;
	(pc) =	sbr.rel @p1 .LBB2_3-.Ltmp0, $4  }
0x39: {  	s23 =	smov.u32 s25;
	[sflag:s17] =	ssyncset.done $0x0  }
0x3a: {  	s28 =	sand.u32 $0x1, s31;
	[sflag:s17] =	ssyncadd.s32 $0xFFFFC180  }
0x3b: {  	s29 =	sshll.u32 s28, $0xE;
	s25 =	sadd.s32 $0x100, s25;
	_ =	swait.ge [sflag:s18], $0x3E80  }
0x3c: {  	s28 =	smov.u32 s29;
	[sflag:s18] =	ssyncset.done $0x0  }
0x3d: {  	s24 =	ssub.s32 $0x5400, s29;
	[sflag:s18] =	ssyncadd.s32 $0xFFFFC180  }
0x3e: {  	[tilespmem:s24], [sflag:$0x1] =	stream.indirect.gather [hbm4b:s0+s13], $0x80, s26, s13, $0xb8;
	[tilespmem:$0x1CC80] =	vst v63  }
0x3f: {  	s31 =	sor.u32 $0x1400, s29  }
0x40: {  	[spmem:s3] =	stream.indirect.scatter.add.f32 [tilespmem:s31], [sflag:$0x2], $0x80, s23, s13, $0xb8;
	[tilespmem:$0x1CC80] =	vst v63  }
0x41: {  	_ =	swait.ge [sflag:s17], $0x3E80  }
0x42: {  	[sflag:s17] =	ssyncset.done $0x0  }
0x43: {  	[sflag:s17] =	ssyncadd.s32 $0xFFFFC180  }
0x44: {  	s22 =	sand.u32 $0x1, s22;
	s21 =	sadd.s32 $0x1, s21;
	_ =	swait.ge [sflag:s18], $0x3E80  }
0x45: {  	s22 =	sshll.u32 s22, $0xE;
	p1 =	sne.s32 s21, $0x4;
	[sflag:s18] =	ssyncset.done $0x0  }
.Ltmp1:
0x46: {  	s22 =	sor.u32 $0x1400, s22;
	[sflag:s18] =	ssyncadd.s32 $0xFFFFC180;
	(pc) =	sbr.rel @p1 .LBB2_2-.Ltmp1, $4  }
0x47: {  	[spmem:s3] =	stream.indirect.scatter.add.f32 [tilespmem:s22], [sflag:$0x2], $0x80, s19, s13, $0xb8;
	[tilespmem:$0x1CC80] =	vst v63  }
0x48: {  	_ =	swait.ge [sflag:s18], $0x3E80  }
0x49: {  	[sflag:s18] =	ssyncset.done $0x0  }
0x4a: {  	[sflag:s18] =	ssyncadd.s32 $0xFFFFC180  }
0x4b: {  	s20 =	sadd.s32 $0x1, s20  }
0x4c: {  	p1 =	sne.s32 s20, s9  }
.Ltmp2:
0x4d: {  	[bflag:$0x0] =	sbarrier.arrive $0xFFFF;
	s21 =	simm.s32 @!p0 $0x3;
	(pc) =	sbr.rel @p1 .LBB2_1-.Ltmp2, $4  }
0x4e: {  	[hbm:s8], [sflag:s10] =	dma.local @!p0 [spmem:s11], $0x3E80  }
0x4f: {  	_ =	swait.ge @!p0 [sflag:s21], $0x3E80  }
0x50: {  	[sflag:s21] =	ssyncset.done @!p0 $0x0  }
0x51: {  	[sflag:s21] =	ssyncadd.s32 @!p0 $0xFFFFC180  }
0x52: {  	_ =	sfence.sel $0x180000  }
0x53: {  	[bflag:$0x0] =	sbarrier.arrive $0xFFFF  }
0x54: {  	p0 =	sne.s32 s2, $0x0;
	_ =	strace $0x9000004A  }
0x55: {  	s0 =	sadd.s32 @!p0 $0x100000, s1;
	[bflag:$0x2] =	sbarrier.arrive $0xFFFF  }
0x56: {  	[sflag:s0] =	ssyncadd.tile.s32 @!p0 $0x1;
	_ =	shalt  }
.Lfunc_end2:
_tile_overlayer_lowered:
.L_overlay_start_2:
0x57: {  	(tag) =	ssettag $0x2  }
0x58: {  	s0 =	rddreg [dreg:$0x0];
	s2 =	stileid.u32  }
0x59: {  	s1 =	rddreg [dreg:$0x1];
	p0 =	sne.s32 s2, $0x0  }
0x5a: {  	s3 =	rddreg [dreg:$0x2];
	[bflag:$0x3] =	sbarrier.arrive $0xFFFF;
	s2 =	simm.s32 @!p0 $0x1C03  }
0x5b: {  	[timem:s3], [sflag:s2] =	dma.local @!p0 [hbm:s0], s1  }
0x5c: {  	s0 =	simm.s32 @!p0 $0x3  }
0x5d: {  	_ =	swait.ge @!p0 [sflag:s0], s1  }
0x5e: {  	s1 =	ssub.s32 @!p0 $0x0, s1;
	[sflag:s0] =	ssyncset.done @!p0 $0x0  }
0x5f: {  	[sflag:s0] =	ssyncadd.s32 @!p0 s1  }
0x60: {  	[bflag:$0x3] =	sbarrier.arrive $0xFFFF  }
0x61: {  	_ =	shalt  }

// kernel: kernel.14.cloned.1.call-start
scs
__scs_entry_jumppad:
0x0: {  	(pc) =	sbr.rel $0x88, $3  }
0x1: {  	(tag) =	ssettag $0x0;
	lr =	simm.s32 $0x1  }
0x2: {  	[smem:$0x3F9B] =	sst lr;
	_ =	strace $0xD0000000  }
0x3: {  	_ = 	snop  }
0x4: {  	_ = 	snop  }
0x5: {  	_ = 	snop  }
0x6: {  	_ = 	snop  }
0x7: {  	_ = 	snop  }
__scs_overlays_trampoline_lowered:
0x8: {  	[smem:$0x3FAA] =	sst s0  }
0x9: {  	[smem:$0x3FAB] =	sst s1  }
0xa: {  	[smem:$0x3FAC] =	sst s2  }
0xb: {  	[smem:$0x3FAD] =	sst s3  }
0xc: {  	[smem:$0x3FAE] =	sst s4  }
0xd: {  	[smem:$0x3FAF] =	sst s5  }
0xe: {  	[smem:$0x3FB0] =	sst s6  }
0xf: {  	[smem:$0x3FB1] =	sst s7  }
0x10: {  	[smem:$0x3FB2] =	sst s8  }
0x11: {  	[smem:$0x3FB3] =	sst s9;
	s0 =	simm.s32 @!p0 $0x0  }
0x12: {  	s1 =	sld [smem:$0x3F99];
	s0 =	simm.s32 @p0 $0x1  }
0x13: {  	[smem:$0x3FB4] =	sst s0;
	s0 =	simm.s32 @!p1 $0x0  }
0x14: {  	s2 =	sld [smem:$0x3F98];
	s0 =	simm.s32 @p1 $0x1  }
0x15: {  	[smem:$0x3FB5] =	sst s0;
	s0 =	simm.s32 @!p2 $0x0  }
0x16: {  	s3 =	sld [smem:$0x3FDB];
	s0 =	simm.s32 @p2 $0x1  }
0x17: {  	s4 =	simm.s32 $0x1BF5;
	[smem:$0x3FB7] =	sst s0  }
0x18: {  	s0 =	sld [smem:$0x3F9A];
	_ =	swait.ge [sflag:s4], $0x0  }
0x19: {  	s7 =	sld [smem:$0x3F9B]  }
0x1a: {  	s8 =	sadd.s32 $0xFFFFE003, lr  }
0x1b: {  	s9 =	sadd.s32 $0xFFFFFEF7, lr;
	s5 =	simm.s32 $0xFFFFFFFF;
	p2 =	slt.u32 s8, $0xFFFFF086  }
0x1c: {  	p1 =	slt.u32 s9, $0xF7A;
	s5 =	simm.s32 @!p2 $0x0  }
0x1d: {  	s5 =	simm.s32 @p1 $0x1;
	p0 =	seq.s32 s7, s2  }
0x1e: {  	s7 =	smul.u32 @!p0 $0xF7A, s2;
	p2 =	seq.s32 @!p0 s5, $0x0  }
0x1f: {  	s9 =	smul.u32 $0xF7A, s1;
	s8 =	simm.s32 @!p0 $0x1BF5;
	p2 =	por !p2, p0  }
0x20: {  	[sflag:s8] =	ssyncset.s32 @!p0 $0xFFFFF086;
	s6 =	sadd.s32 @!p0 s3, s7;
	s7 =	simm.s32 @!p0 $0x108  }
0x21: {  	s3 =	sadd.s32 s3, s9;
	s6 =	sadd.s32 @!p0 $0x88, s6;
	s7 =	simm.s32 @p2 $0x1082  }
0x22: {  	[simem:s7], [sflag:s8] =	dma.local @!p0 [hbm:s6], $0xF7A  }
0x23: {  	s9 =	sor.u32 $0xD0000000, s2;
	s6 =	simm.s32 $0x108;
	_ =	swait.ge @!p0 [sflag:s8], $0x0  }
0x24: {  	s3 =	sadd.s32 $0x88, s3;
	s6 =	simm.s32 @!p1 $0x1082;
	[sflag:s4] =	ssyncset.s32 $0xFFFFF086  }
0x25: {  	[simem:s6], [sflag:s4] =	dma.local [hbm:s3], $0xF7A  }
0x26: {  	[smem:$0x3F9B] =	sst s1;
	(tag) =	ssettag s2;
	_ =	strace s9  }
0x27: {  	s1 =	sld [smem:$0x3FAB]  }
0x28: {  	s2 =	sld [smem:$0x3FAC]  }
0x29: {  	s4 =	sld [smem:$0x3FAE]  }
0x2a: {  	p0 =	seq.s32 s5, $0x0;
	s5 =	sld [smem:$0x3FAF]  }
0x2b: {  	s6 =	sld [smem:$0x3FB0]  }
0x2c: {  	s7 =	sld [smem:$0x3FB1]  }
0x2d: {  	s3 =	simm.s32 $0x108;
	s8 =	sld [smem:$0x3FB2]  }
0x2e: {  	s3 =	simm.s32 @!p0 $0x1082;
	s9 =	sld [smem:$0x3FB3]  }
0x2f: {  	lr =	sadd.s32 s0, s3;
	s0 =	sld [smem:$0x3FAA]  }
0x30: {  	s3 =	sld [smem:$0x3FAD]  }
0x31: {  	[smem:$0x3FB6] =	sst s10  }
0x32: {  	s10 =	sld [smem:$0x3FB4];
	_ =	sdelay $0x3  }
0x33: {  	p0 =	seq.s32 s10, $0x1;
	s10 =	sld [smem:$0x3FB6];
	_ =	sdelay $0x3  }
0x34: {  	[smem:$0x3FB6] =	sst s10  }
0x35: {  	s10 =	sld [smem:$0x3FB5];
	_ =	sdelay $0x3  }
0x36: {  	p1 =	seq.s32 s10, $0x1;
	s10 =	sld [smem:$0x3FB6];
	_ =	sdelay $0x3  }
0x37: {  	[smem:$0x3FB6] =	sst s10  }
0x38: {  	s10 =	sld [smem:$0x3FB7]  }
0x39: {  	_ = 	snop;
	(pc) =	sbr.ind lr, $3  }
0x3a: {  	_ = 	snop  }
0x3b: {  	_ = 	snop  }
0x3c: {  	p2 =	seq.s32 s10, $0x1;
	s10 =	sld [smem:$0x3FB6]  }
0x3d: {  	_ =	shalt  }
0x3e: {  	_ =	shalt  }
0x3f: {  	_ =	shalt  }
0x40: {  	_ =	shalt  }
0x41: {  	_ =	shalt  }
0x42: {  	_ =	shalt  }
0x43: {  	_ =	shalt  }
0x44: {  	_ =	shalt  }
0x45: {  	_ =	shalt  }
0x46: {  	_ =	shalt  }
0x47: {  	_ =	shalt  }
0x48: {  	_ =	shalt  }
0x49: {  	_ =	shalt  }
0x4a: {  	_ =	shalt  }
0x4b: {  	_ =	shalt  }
0x4c: {  	_ =	shalt  }
0x4d: {  	_ =	shalt  }
0x4e: {  	_ =	shalt  }
0x4f: {  	_ =	shalt  }
0x50: {  	_ =	shalt  }
0x51: {  	_ =	shalt  }
0x52: {  	_ =	shalt  }
0x53: {  	_ =	shalt  }
0x54: {  	_ =	shalt  }
0x55: {  	_ =	shalt  }
0x56: {  	_ =	shalt  }
0x57: {  	_ =	shalt  }
0x58: {  	_ =	shalt  }
0x59: {  	_ =	shalt  }
0x5a: {  	_ =	shalt  }
0x5b: {  	_ =	shalt  }
0x5c: {  	_ =	shalt  }
0x5d: {  	_ =	shalt  }
0x5e: {  	_ =	shalt  }
0x5f: {  	_ =	shalt  }
0x60: {  	_ =	shalt  }
0x61: {  	_ =	shalt  }
0x62: {  	_ =	shalt  }
0x63: {  	_ =	shalt  }
0x64: {  	_ =	shalt  }
0x65: {  	_ =	shalt  }
0x66: {  	_ =	shalt  }
0x67: {  	_ =	shalt  }
0x68: {  	_ =	shalt  }
0x69: {  	_ =	shalt  }
0x6a: {  	_ =	shalt  }
0x6b: {  	_ =	shalt  }
0x6c: {  	_ =	shalt  }
0x6d: {  	_ =	shalt  }
0x6e: {  	_ =	shalt  }
0x6f: {  	_ =	shalt  }
0x70: {  	_ =	shalt  }
0x71: {  	_ =	shalt  }
0x72: {  	_ =	shalt  }
0x73: {  	_ =	shalt  }
0x74: {  	_ =	shalt  }
0x75: {  	_ =	shalt  }
0x76: {  	_ =	shalt  }
0x77: {  	_ =	shalt  }
0x78: {  	_ =	shalt  }
0x79: {  	_ =	shalt  }
0x7a: {  	_ =	shalt  }
0x7b: {  	_ =	shalt  }
0x7c: {  	_ =	shalt  }
0x7d: {  	_ =	shalt  }
0x7e: {  	_ =	shalt  }
0x7f: {  	_ =	shalt  }
0x80: {  	_ =	shalt  }
0x81: {  	_ =	shalt  }
0x82: {  	_ =	shalt  }
0x83: {  	_ =	shalt  }
0x84: {  	_ =	shalt  }
0x85: {  	_ =	shalt  }
0x86: {  	_ =	shalt  }
0x87: {  	_ =	shalt  }
.Lfunc_end0:
.L_simem_size_0:
called_computation.2_lowered:
.L_overlay_start_0:
0x88: {  	s2 =	sld [smem:$0x3FD9]  }
0x89: {  	s3 =	sld [smem:$0x3FFE];
	_ =	sdelay $0x1  }
0x8a: {  	s1 =	srdreg.scid  }
0x8b: {  	s0 =	sand.u32 $0x1, s1  }
0x8c: {  	s17 =	sshll.u32 s0, $0xA;
	s2 =	sadd.s32 s3, s2  }
0x8d: {  	s2 =	sadd.s32 s2, s17  }
0x8e: {  	[smem:$0x3FC2] =	sst s2  }
0x8f: {  	_ = 	snop  }
0x90: {  	s2 =	sld [smem:$0x3FD0];
	(tm) =	ssettm $0x1  }
0x91: {  	s18 =	sld [smem:$0x3FFB];
	_ =	sdelay $0x3  }
0x92: {  	_ =	strace s18  }
0x93: {  	s3 =	sld [smem:$0x3FFC];
	_ =	sdelay $0x3  }
0x94: {  	_ =	strace s3  }
0x95: {  	s3 =	sld [smem:$0x3FFD];
	_ =	sdelay $0x3  }
0x96: {  	_ =	strace s3  }
0x97: {  	_ =	strace $0x8FFFFFFF  }
0x98: {  	s19 =	sld [smem:$0x3FDB];
	_ =	sdelay $0x1  }
0x99: {  	s4 =	simm.s32 $_scs_section_size  }
0x9a: {  	s5 =	simm.s32 $_size__tile_overlayer_lowered;
	s6 =	simm.s32 $_tile_overlayer_lowered  }
0x9b: {  	s22 =	simm.s32 $0x1BFF;
	s21 =	sshll.u32 s6, $0x1;
	s3 =	sadd.s32 s4, s19  }
0x9c: {  	s7 =	simm.s32 $0x0;
	s20 =	sshll.u32 s5, $0x1;
	s5 =	sadd.s32 s21, s3  }
0x9d: {  	[timem:s7], [sflag:s22] =	dma.local [hbm:s5], s20  }
0x9e: {  	_ =	swait.ge [sflag:s22], s20  }
0x9f: {  	s4 =	ssub.s32 $0x0, s20;
	[sflag:s22] =	ssyncset.done $0x0  }
0xa0: {  	[sflag:s22] =	ssyncadd.s32 s4;
	_ =	sdelay $0x1  }
0xa1: {  	s23 =	simm.s32 $0x1B8B  }
0xa2: {  	_ =	swait.ge [sflag:s23], $0x1  }
0xa3: {  	[sflag:s23] =	ssyncset.done $0x0  }
0xa4: {  	s25 =	simm.s32 $0x1B8E;
	s24 =	sld [smem:$0x3FFE];
	[sflag:s23] =	ssyncadd.s32 $0xFFFFFFFF  }
0xa5: {  	s26 =	simm.s32 $execute0_lowered;
	[smem:$0x3FD2] =	sst s25  }
0xa6: {  	s5 =	sshll.u32 s26, $0x1;
	_ =	strace $0x8000004C;
	[dreg:$0x1] =	wrdreg $0xFFFFFFFF  }
0xa7: {  	s28 =	simm.s32 $_size_execute0_lowered;
	s3 =	sadd.s32 s3, s5;
	[dreg:$0x0] =	wrdreg $0x0  }
0xa8: {  	s5 =	sshll.u32 s28, $0x1;
	[dreg:$0x2] =	wrdreg s3  }
0xa9: {  	[dreg:$0x3] =	wrdreg s5  }
0xaa: {  	[dreg:$0x4] =	wrdreg $0xC0  }
0xab: {  	_ =	task [dreg:s7], $0x5FFFF  }
0xac: {  	[dreg:$0x1] =	wrdreg $0xFFFFFFFF  }
0xad: {  	[dreg:$0x0] =	wrdreg $0x60  }
0xae: {  	[dreg:$0x2] =	wrdreg s2  }
0xaf: {  	[dreg:$0x3] =	wrdreg s24  }
0xb0: {  	[dreg:$0x4] =	wrdreg $0x94000  }
0xb1: {  	[dreg:$0x5] =	wrdreg $0x9  }
0xb2: {  	_ =	task.clear_ibuf [dreg:s7], $0x6FFFF;
	_ =	strace $0x9000004C  }
0xb3: {  	s29 =	simm.s32 $0x9;
	_ =	strace $0x8000004E  }
0xb4: {  	_ =	swait.ge [sflag:s29], $0x1  }
0xb5: {  	[sflag:s29] =	ssyncadd.s32 $0xFFFFFFFF  }
0xb6: {  	_ =	strace $0x9000004E  }
0xb7: {  	_ =	sfence  }
0xb8: {  	s30 =	sld [smem:$0x0];
	_ =	sdelay $0x2  }
0xb9: {  	s31 =	sshll.u32 s1, $0xD;
	s1 =	sshrl.u32 s1, $0x2  }
0xba: {  	s3 =	sand.u32 $0x4000, s31;
	s1 =	sadd.s32 s1, s30  }
0xbb: {  	s0 =	sor.u32 s3, s0;
	s1 =	sshll.u32 s1, $0x11  }
0xbc: {  	s0 =	sor.u32 s1, s0  }
0xbd: {  	s0 =	sadd.s32 $0x8F2B, s0  }
0xbe: {  	[sflag:s0] =	ssyncadd.remote.s32 $0x1  }
0xbf: {  	_ =	sfence.sel $0xFFFF  }
0xc0: {  	[dreg:$0x0] =	wrdreg $0xFFFFFFFF;
	(pc) =	sbr.abs _section_cstart, $3  }
0xc1: {  	[dreg:$0x1] =	wrdreg $0xFFFFFFFF  }
0xc2: {  	_ =	task.clear_ibuf [dreg:s7], $0x2FFFF;
	_ =	strace $0x9FFFFFFF  }
0xc3: {  	(tm) =	ssettm $0x7FFFFFFF  }
tec
execute0_lowered:
.L_overlay_start_1:
0x0: {  	(tag) =	ssettag $0x1  }
0x1: {  	s0 =	rddreg [dreg:$0x0]  }
0x2: {  	s7 =	rddreg [dreg:$0x1];
	s1 =	srdreg.scid  }
0x3: {  	s3 =	rddreg [dreg:$0x2];
	s2 =	stileid.u32  }
0x4: {  	s4 =	simm.s32 $0x0;
	s13 =	simm.s32 $0x7D;
	s14 =	simm.s32 $0x1400  }
0x5: {  	s15 =	simm.s32 $0x100;
	s16 =	simm.s32 $0x80;
	s17 =	simm.s32 $0x1  }
0x6: {  	s18 =	simm.s32 $0x2;
	s19 =	simm.s32 $0x1380;
	s20 =	simm.s32 $0x0  }
0x7: {  	s8 =	sand.u32 $0x1, s1;
	s9 =	smul.u32 $0x1F400, s2;
	[smem:$0x7FF] =	sst s4  }
0x8: {  	s5 =	sadd.s32 $0x3C00, s7;
	s11 =	smul.u32 $0x7D000, s2;
	p0 =	sgt.u32 s2, $0x9  }
0x9: {  	s1 =	rddreg [dreg:$0x3];
	s6 =	smul.u32 $0x138800, s8;
	_ =	strace $0x8000004D  }
0xa: {  	s10 =	ssub.s32 $0x2, s8;
	s30 =	sshll.u32 s8, $0x4;
	s12 =	sshll.u32 @!p0 s2, $0x6  }
0xb: {  	s29 =	sshrl.u32 s10, $0x1;
	s31 =	sshrl.u32 s11, $0x2;
	s6 =	sadd.s32 s9, s6  }
0xc: {  	s10 =	ssub.s32 s10, s29;
	s11 =	sadd.s32 s31, s3;
	s9 =	sshrl.u32 s6, $0x3  }
0xd: {  	s6 =	sadd.s32 $0x66000, s7;
	s9 =	sadd.s32 s9, s7;
	s7 =	sor.u32 s2, s30  }
0xe: {  	s11 =	sshrl.u32 @!p0 s11, $0x3;
	s7 =	smul.u32 $0x5000, s7;
	s8 =	sadd.s32 $0x6A000, s9  }
0xf: {  	s9 =	smax.u32 s10, $0x1;
	s10 =	sor.u32 @!p0 $0x1C03, s12;
	s12 =	simm.s32 $0x3  }
.LBB2_1:
0x10: {  	[spmem:s11], [sflag:s10] =	dma.local @!p0 [hbm:s6], $0x3E80  }
0x11: {  	s21 =	simm.s32 @!p0 $0x3  }
0x12: {  	_ =	swait.ge @!p0 [sflag:s21], $0x3E80  }
0x13: {  	[sflag:s21] =	ssyncset.done @!p0 $0x0  }
0x14: {  	[sflag:s21] =	ssyncadd.s32 @!p0 $0xFFFFC180  }
0x15: {  	s21 =	simm.s32 $0x0;
	[bflag:$0x0] =	sbarrier.arrive $0xFFFF  }
.LBB2_2:
0x16: {  	s22 =	smul.u32 $0x1400, s21;
	_ =	sdelay $0x1  }
0x17: {  	s22 =	sadd.s32 s7, s22  }
0x18: {  	s22 =	sshrl.u32 s22, $0x3  }
0x19: {  	s22 =	sadd.s32 s5, s22  }
0x1a: {  	[tilespmem:s4], [sflag:$0x3] =	stream.linear.gather [hbm4b:s22+s4], $0x1400, $0x38;
	[tilespmem:$0x1CC80] =	vst v63  }
0x1b: {  	_ =	swait.ge [sflag:s12], $0x1400  }
0x1c: {  	[sflag:s12] =	ssyncset.done $0x0  }
0x1d: {  	s26 =	simm.s32 $0x1;
	[sflag:s12] =	ssyncadd.s32 $0xFFFFEC00  }
0x1e: {  	[tilespmem:s14], [sflag:$0x1] =	stream.indirect.gather [hbm4b:s0+s13], $0x80, s4, s13, $0xb8;
	[tilespmem:$0x1CC80] =	vst v63  }
0x1f: {  	_ =	swait.ge [sflag:s26], $0x3E80  }
0x20: {  	[sflag:s26] =	ssyncset.done $0x0  }
0x21: {  	s23 =	simm.s32 $0x5400;
	[sflag:s26] =	ssyncadd.s32 $0xFFFFC180  }
0x22: {  	[tilespmem:s23], [sflag:$0x1] =	stream.indirect.gather [hbm4b:s0+s13], $0x80, s15, s13, $0xb8;
	[tilespmem:$0x1CC80] =	vst v63  }
0x23: {  	_ = 	snop  }
0x24: {  	[spmem:s3] =	stream.indirect.scatter.add.f32 [tilespmem:s14], [sflag:$0x2], $0x80, s16, s13, $0xb8;
	[tilespmem:$0x1CC80] =	vst v63  }
0x25: {  	_ =	swait.ge [sflag:s26], $0x3E80  }
0x26: {  	[sflag:s26] =	ssyncset.done $0x0  }
0x27: {  	s28 =	simm.s32 $0x2;
	[sflag:s26] =	ssyncadd.s32 $0xFFFFC180  }
0x28: {  	_ =	swait.ge [sflag:s28], $0x3E80  }
0x29: {  	[sflag:s28] =	ssyncset.done $0x0  }
0x2a: {  	s30 =	simm.s32 $0x200;
	s24 =	simm.s32 $0x1400;
	[sflag:s28] =	ssyncadd.s32 $0xFFFFC180  }
0x2b: {  	[tilespmem:s24], [sflag:$0x1] =	stream.indirect.gather [hbm4b:s0+s13], $0x80, s30, s13, $0xb8;
	[tilespmem:$0x1CC80] =	vst v63  }
0x2c: {  	s31 =	simm.s32 $0x180  }
0x2d: {  	[spmem:s3] =	stream.indirect.scatter.add.f32 [tilespmem:s23], [sflag:$0x2], $0x80, s31, s13, $0xb8;
	[tilespmem:$0x1CC80] =	vst v63  }
0x2e: {  	_ =	swait.ge [sflag:s17], $0x3E80  }
0x2f: {  	s25 =	simm.s32 $0x380;
	s22 =	simm.s32 $0x3;
	[sflag:s17] =	ssyncset.done $0x0  }
0x30: {  	s26 =	simm.s32 $0x300;
	s28 =	sand.u32 $0x1, s28;
	[sflag:s17] =	ssyncadd.s32 $0xFFFFC180  }
0x31: {  	s24 =	simm.s32 $0x4;
	s29 =	sshll.u32 s28, $0xE;
	_ =	swait.ge [sflag:s18], $0x3E80  }
0x32: {  	s28 =	sshll.u32 s28, $0xE;
	s23 =	simm.s32 $0x280;
	[sflag:s18] =	ssyncset.done $0x0  }
.LBB2_3:
0x33: {  	s30 =	sadd.s32 $0x80, s25;
	s29 =	ssub.s32 $0x5400, s29  }
0x34: {  	[sflag:s18] =	ssyncadd.s32 $0xFFFFC180;
	s31 =	smov.u32 s22;
	s22 =	smov.u32 s24  }
0x35: {  	[tilespmem:s29], [sflag:$0x1] =	stream.indirect.gather [hbm4b:s0+s13], $0x80, s26, s13, $0xb8;
	[tilespmem:$0x1CC80] =	vst v63  }
0x36: {  	p1 =	sne.s32 s24, $0x13;
	s24 =	sadd.s32 $0x1, s24;
	s26 =	sor.u32 $0x1400, s28  }
0x37: {  	[spmem:s3] =	stream.indirect.scatter.add.f32 [tilespmem:s26], [sflag:$0x2], $0x80, s23, s13, $0xb8;
	[tilespmem:$0x1CC80] =	vst v63  }
.Ltmp0:
0x38: {  	s26 =	smov.u32 s30;
	_ =	swait.ge [sflag:s17], $0x3E80;
	(pc) =	sbr.rel @p1 .LBB2_3-.Ltmp0, $4  }
0x39: {  	s23 =	smov.u32 s25;
	[sflag:s17] =	ssyncset.done $0x0  }
0x3a: {  	s28 =	sand.u32 $0x1, s31;
	[sflag:s17] =	ssyncadd.s32 $0xFFFFC180  }
0x3b: {  	s29 =	sshll.u32 s28, $0xE;
	s25 =	sadd.s32 $0x100, s25;
	_ =	swait.ge [sflag:s18], $0x3E80  }
0x3c: {  	s28 =	smov.u32 s29;
	[sflag:s18] =	ssyncset.done $0x0  }
0x3d: {  	s24 =	ssub.s32 $0x5400, s29;
	[sflag:s18] =	ssyncadd.s32 $0xFFFFC180  }
0x3e: {  	[tilespmem:s24], [sflag:$0x1] =	stream.indirect.gather [hbm4b:s0+s13], $0x80, s26, s13, $0xb8;
	[tilespmem:$0x1CC80] =	vst v63  }
0x3f: {  	s31 =	sor.u32 $0x1400, s29  }
0x40: {  	[spmem:s3] =	stream.indirect.scatter.add.f32 [tilespmem:s31], [sflag:$0x2], $0x80, s23, s13, $0xb8;
	[tilespmem:$0x1CC80] =	vst v63  }
0x41: {  	_ =	swait.ge [sflag:s17], $0x3E80  }
0x42: {  	[sflag:s17] =	ssyncset.done $0x0  }
0x43: {  	[sflag:s17] =	ssyncadd.s32 $0xFFFFC180  }
0x44: {  	s22 =	sand.u32 $0x1, s22;
	s21 =	sadd.s32 $0x1, s21;
	_ =	swait.ge [sflag:s18], $0x3E80  }
0x45: {  	s22 =	sshll.u32 s22, $0xE;
	p1 =	sne.s32 s21, $0x4;
	[sflag:s18] =	ssyncset.done $0x0  }
.Ltmp1:
0x46: {  	s22 =	sor.u32 $0x1400, s22;
	[sflag:s18] =	ssyncadd.s32 $0xFFFFC180;
	(pc) =	sbr.rel @p1 .LBB2_2-.Ltmp1, $4  }
0x47: {  	[spmem:s3] =	stream.indirect.scatter.add.f32 [tilespmem:s22], [sflag:$0x2], $0x80, s19, s13, $0xb8;
	[tilespmem:$0x1CC80] =	vst v63  }
0x48: {  	_ =	swait.ge [sflag:s18], $0x3E80  }
0x49: {  	[sflag:s18] =	ssyncset.done $0x0  }
0x4a: {  	[sflag:s18] =	ssyncadd.s32 $0xFFFFC180  }
0x4b: {  	s20 =	sadd.s32 $0x1, s20  }
0x4c: {  	p1 =	sne.s32 s20, s9  }
.Ltmp2:
0x4d: {  	[bflag:$0x0] =	sbarrier.arrive $0xFFFF;
	s21 =	simm.s32 @!p0 $0x3;
	(pc) =	sbr.rel @p1 .LBB2_1-.Ltmp2, $4  }
0x4e: {  	[hbm:s8], [sflag:s10] =	dma.local @!p0 [spmem:s11], $0x3E80  }
0x4f: {  	_ =	swait.ge @!p0 [sflag:s21], $0x3E80  }
0x50: {  	[sflag:s21] =	ssyncset.done @!p0 $0x0  }
0x51: {  	[sflag:s21] =	ssyncadd.s32 @!p0 $0xFFFFC180  }
0x52: {  	_ =	sfence.sel $0x180000  }
0x53: {  	[bflag:$0x0] =	sbarrier.arrive $0xFFFF  }
0x54: {  	p0 =	sne.s32 s2, $0x0;
	_ =	strace $0x9000004D  }
0x55: {  	s0 =	sadd.s32 @!p0 $0x100000, s1;
	[bflag:$0x2] =	sbarrier.arrive $0xFFFF  }
0x56: {  	[sflag:s0] =	ssyncadd.tile.s32 @!p0 $0x1;
	_ =	shalt  }
.Lfunc_end2:
_tile_overlayer_lowered:
.L_overlay_start_2:
0x57: {  	(tag) =	ssettag $0x2  }
0x58: {  	s0 =	rddreg [dreg:$0x0];
	s2 =	stileid.u32  }
0x59: {  	s1 =	rddreg [dreg:$0x1];
	p0 =	sne.s32 s2, $0x0  }
0x5a: {  	s3 =	rddreg [dreg:$0x2];
	[bflag:$0x3] =	sbarrier.arrive $0xFFFF;
	s2 =	simm.s32 @!p0 $0x1C03  }
0x5b: {  	[timem:s3], [sflag:s2] =	dma.local @!p0 [hbm:s0], s1  }
0x5c: {  	s0 =	simm.s32 @!p0 $0x3  }
0x5d: {  	_ =	swait.ge @!p0 [sflag:s0], s1  }
0x5e: {  	s1 =	ssub.s32 @!p0 $0x0, s1;
	[sflag:s0] =	ssyncset.done @!p0 $0x0  }
0x5f: {  	[sflag:s0] =	ssyncadd.s32 @!p0 s1  }
0x60: {  	[bflag:$0x3] =	sbarrier.arrive $0xFFFF  }
0x61: {  	_ =	shalt  }

// kernel: kernel.8.cloned.1.call-start
scs
__scs_entry_jumppad:
0x0: {  	(pc) =	sbr.rel $0x88, $3  }
0x1: {  	(tag) =	ssettag $0x0;
	lr =	simm.s32 $0x1  }
0x2: {  	[smem:$0x3F9B] =	sst lr;
	_ =	strace $0xD0000000  }
0x3: {  	_ = 	snop  }
0x4: {  	_ = 	snop  }
0x5: {  	_ = 	snop  }
0x6: {  	_ = 	snop  }
0x7: {  	_ = 	snop  }
__scs_overlays_trampoline_lowered:
0x8: {  	[smem:$0x3FAA] =	sst s0  }
0x9: {  	[smem:$0x3FAB] =	sst s1  }
0xa: {  	[smem:$0x3FAC] =	sst s2  }
0xb: {  	[smem:$0x3FAD] =	sst s3  }
0xc: {  	[smem:$0x3FAE] =	sst s4  }
0xd: {  	[smem:$0x3FAF] =	sst s5  }
0xe: {  	[smem:$0x3FB0] =	sst s6  }
0xf: {  	[smem:$0x3FB1] =	sst s7  }
0x10: {  	[smem:$0x3FB2] =	sst s8  }
0x11: {  	[smem:$0x3FB3] =	sst s9;
	s0 =	simm.s32 @!p0 $0x0  }
0x12: {  	s1 =	sld [smem:$0x3F99];
	s0 =	simm.s32 @p0 $0x1  }
0x13: {  	[smem:$0x3FB4] =	sst s0;
	s0 =	simm.s32 @!p1 $0x0  }
0x14: {  	s2 =	sld [smem:$0x3F98];
	s0 =	simm.s32 @p1 $0x1  }
0x15: {  	[smem:$0x3FB5] =	sst s0;
	s0 =	simm.s32 @!p2 $0x0  }
0x16: {  	s3 =	sld [smem:$0x3FDB];
	s0 =	simm.s32 @p2 $0x1  }
0x17: {  	s4 =	simm.s32 $0x1BF5;
	[smem:$0x3FB7] =	sst s0  }
0x18: {  	s0 =	sld [smem:$0x3F9A];
	_ =	swait.ge [sflag:s4], $0x0  }
0x19: {  	s7 =	sld [smem:$0x3F9B]  }
0x1a: {  	s8 =	sadd.s32 $0xFFFFE003, lr  }
0x1b: {  	s9 =	sadd.s32 $0xFFFFFEF7, lr;
	s5 =	simm.s32 $0xFFFFFFFF;
	p2 =	slt.u32 s8, $0xFFFFF086  }
0x1c: {  	p1 =	slt.u32 s9, $0xF7A;
	s5 =	simm.s32 @!p2 $0x0  }
0x1d: {  	s5 =	simm.s32 @p1 $0x1;
	p0 =	seq.s32 s7, s2  }
0x1e: {  	s7 =	smul.u32 @!p0 $0xF7A, s2;
	p2 =	seq.s32 @!p0 s5, $0x0  }
0x1f: {  	s9 =	smul.u32 $0xF7A, s1;
	s8 =	simm.s32 @!p0 $0x1BF5;
	p2 =	por !p2, p0  }
0x20: {  	[sflag:s8] =	ssyncset.s32 @!p0 $0xFFFFF086;
	s6 =	sadd.s32 @!p0 s3, s7;
	s7 =	simm.s32 @!p0 $0x108  }
0x21: {  	s3 =	sadd.s32 s3, s9;
	s6 =	sadd.s32 @!p0 $0x88, s6;
	s7 =	simm.s32 @p2 $0x1082  }
0x22: {  	[simem:s7], [sflag:s8] =	dma.local @!p0 [hbm:s6], $0xF7A  }
0x23: {  	s9 =	sor.u32 $0xD0000000, s2;
	s6 =	simm.s32 $0x108;
	_ =	swait.ge @!p0 [sflag:s8], $0x0  }
0x24: {  	s3 =	sadd.s32 $0x88, s3;
	s6 =	simm.s32 @!p1 $0x1082;
	[sflag:s4] =	ssyncset.s32 $0xFFFFF086  }
0x25: {  	[simem:s6], [sflag:s4] =	dma.local [hbm:s3], $0xF7A  }
0x26: {  	[smem:$0x3F9B] =	sst s1;
	(tag) =	ssettag s2;
	_ =	strace s9  }
0x27: {  	s1 =	sld [smem:$0x3FAB]  }
0x28: {  	s2 =	sld [smem:$0x3FAC]  }
0x29: {  	s4 =	sld [smem:$0x3FAE]  }
0x2a: {  	p0 =	seq.s32 s5, $0x0;
	s5 =	sld [smem:$0x3FAF]  }
0x2b: {  	s6 =	sld [smem:$0x3FB0]  }
0x2c: {  	s7 =	sld [smem:$0x3FB1]  }
0x2d: {  	s3 =	simm.s32 $0x108;
	s8 =	sld [smem:$0x3FB2]  }
0x2e: {  	s3 =	simm.s32 @!p0 $0x1082;
	s9 =	sld [smem:$0x3FB3]  }
0x2f: {  	lr =	sadd.s32 s0, s3;
	s0 =	sld [smem:$0x3FAA]  }
0x30: {  	s3 =	sld [smem:$0x3FAD]  }
0x31: {  	[smem:$0x3FB6] =	sst s10  }
0x32: {  	s10 =	sld [smem:$0x3FB4];
	_ =	sdelay $0x3  }
0x33: {  	p0 =	seq.s32 s10, $0x1;
	s10 =	sld [smem:$0x3FB6];
	_ =	sdelay $0x3  }
0x34: {  	[smem:$0x3FB6] =	sst s10  }
0x35: {  	s10 =	sld [smem:$0x3FB5];
	_ =	sdelay $0x3  }
0x36: {  	p1 =	seq.s32 s10, $0x1;
	s10 =	sld [smem:$0x3FB6];
	_ =	sdelay $0x3  }
0x37: {  	[smem:$0x3FB6] =	sst s10  }
0x38: {  	s10 =	sld [smem:$0x3FB7]  }
0x39: {  	_ = 	snop;
	(pc) =	sbr.ind lr, $3  }
0x3a: {  	_ = 	snop  }
0x3b: {  	_ = 	snop  }
0x3c: {  	p2 =	seq.s32 s10, $0x1;
	s10 =	sld [smem:$0x3FB6]  }
0x3d: {  	_ =	shalt  }
0x3e: {  	_ =	shalt  }
0x3f: {  	_ =	shalt  }
0x40: {  	_ =	shalt  }
0x41: {  	_ =	shalt  }
0x42: {  	_ =	shalt  }
0x43: {  	_ =	shalt  }
0x44: {  	_ =	shalt  }
0x45: {  	_ =	shalt  }
0x46: {  	_ =	shalt  }
0x47: {  	_ =	shalt  }
0x48: {  	_ =	shalt  }
0x49: {  	_ =	shalt  }
0x4a: {  	_ =	shalt  }
0x4b: {  	_ =	shalt  }
0x4c: {  	_ =	shalt  }
0x4d: {  	_ =	shalt  }
0x4e: {  	_ =	shalt  }
0x4f: {  	_ =	shalt  }
0x50: {  	_ =	shalt  }
0x51: {  	_ =	shalt  }
0x52: {  	_ =	shalt  }
0x53: {  	_ =	shalt  }
0x54: {  	_ =	shalt  }
0x55: {  	_ =	shalt  }
0x56: {  	_ =	shalt  }
0x57: {  	_ =	shalt  }
0x58: {  	_ =	shalt  }
0x59: {  	_ =	shalt  }
0x5a: {  	_ =	shalt  }
0x5b: {  	_ =	shalt  }
0x5c: {  	_ =	shalt  }
0x5d: {  	_ =	shalt  }
0x5e: {  	_ =	shalt  }
0x5f: {  	_ =	shalt  }
0x60: {  	_ =	shalt  }
0x61: {  	_ =	shalt  }
0x62: {  	_ =	shalt  }
0x63: {  	_ =	shalt  }
0x64: {  	_ =	shalt  }
0x65: {  	_ =	shalt  }
0x66: {  	_ =	shalt  }
0x67: {  	_ =	shalt  }
0x68: {  	_ =	shalt  }
0x69: {  	_ =	shalt  }
0x6a: {  	_ =	shalt  }
0x6b: {  	_ =	shalt  }
0x6c: {  	_ =	shalt  }
0x6d: {  	_ =	shalt  }
0x6e: {  	_ =	shalt  }
0x6f: {  	_ =	shalt  }
0x70: {  	_ =	shalt  }
0x71: {  	_ =	shalt  }
0x72: {  	_ =	shalt  }
0x73: {  	_ =	shalt  }
0x74: {  	_ =	shalt  }
0x75: {  	_ =	shalt  }
0x76: {  	_ =	shalt  }
0x77: {  	_ =	shalt  }
0x78: {  	_ =	shalt  }
0x79: {  	_ =	shalt  }
0x7a: {  	_ =	shalt  }
0x7b: {  	_ =	shalt  }
0x7c: {  	_ =	shalt  }
0x7d: {  	_ =	shalt  }
0x7e: {  	_ =	shalt  }
0x7f: {  	_ =	shalt  }
0x80: {  	_ =	shalt  }
0x81: {  	_ =	shalt  }
0x82: {  	_ =	shalt  }
0x83: {  	_ =	shalt  }
0x84: {  	_ =	shalt  }
0x85: {  	_ =	shalt  }
0x86: {  	_ =	shalt  }
0x87: {  	_ =	shalt  }
.Lfunc_end0:
.L_simem_size_0:
called_computation_lowered:
.L_overlay_start_0:
0x88: {  	s2 =	sld [smem:$0x3FD9]  }
0x89: {  	s3 =	sld [smem:$0x3FFE];
	_ =	sdelay $0x1  }
0x8a: {  	s1 =	srdreg.scid  }
0x8b: {  	s0 =	sand.u32 $0x1, s1  }
0x8c: {  	s17 =	sshll.u32 s0, $0xA;
	s2 =	sadd.s32 s3, s2  }
0x8d: {  	s2 =	sadd.s32 s2, s17  }
0x8e: {  	[smem:$0x3FC2] =	sst s2  }
0x8f: {  	_ = 	snop  }
0x90: {  	s2 =	sld [smem:$0x3FD0];
	(tm) =	ssettm $0x1  }
0x91: {  	s18 =	sld [smem:$0x3FFB];
	_ =	sdelay $0x3  }
0x92: {  	_ =	strace s18  }
0x93: {  	s3 =	sld [smem:$0x3FFC];
	_ =	sdelay $0x3  }
0x94: {  	_ =	strace s3  }
0x95: {  	s3 =	sld [smem:$0x3FFD];
	_ =	sdelay $0x3  }
0x96: {  	_ =	strace s3  }
0x97: {  	_ =	strace $0x8FFFFFFF  }
0x98: {  	s19 =	sld [smem:$0x3FDB];
	_ =	sdelay $0x1  }
0x99: {  	s4 =	simm.s32 $_scs_section_size  }
0x9a: {  	s5 =	simm.s32 $_size__tile_overlayer_lowered;
	s6 =	simm.s32 $_tile_overlayer_lowered  }
0x9b: {  	s22 =	simm.s32 $0x1BFF;
	s21 =	sshll.u32 s6, $0x1;
	s3 =	sadd.s32 s4, s19  }
0x9c: {  	s7 =	simm.s32 $0x0;
	s20 =	sshll.u32 s5, $0x1;
	s5 =	sadd.s32 s21, s3  }
0x9d: {  	[timem:s7], [sflag:s22] =	dma.local [hbm:s5], s20  }
0x9e: {  	_ =	swait.ge [sflag:s22], s20  }
0x9f: {  	s4 =	ssub.s32 $0x0, s20;
	[sflag:s22] =	ssyncset.done $0x0  }
0xa0: {  	[sflag:s22] =	ssyncadd.s32 s4;
	_ =	sdelay $0x1  }
0xa1: {  	s23 =	simm.s32 $0x1B8B  }
0xa2: {  	_ =	swait.ge [sflag:s23], $0x1  }
0xa3: {  	[sflag:s23] =	ssyncset.done $0x0  }
0xa4: {  	s25 =	simm.s32 $0x1B8E;
	s24 =	sld [smem:$0x3FFE];
	[sflag:s23] =	ssyncadd.s32 $0xFFFFFFFF  }
0xa5: {  	s26 =	simm.s32 $execute0_lowered;
	[smem:$0x3FD2] =	sst s25  }
0xa6: {  	s5 =	sshll.u32 s26, $0x1;
	_ =	strace $0x80000046;
	[dreg:$0x1] =	wrdreg $0xFFFFFFFF  }
0xa7: {  	s28 =	simm.s32 $_size_execute0_lowered;
	s3 =	sadd.s32 s3, s5;
	[dreg:$0x0] =	wrdreg $0x0  }
0xa8: {  	s5 =	sshll.u32 s28, $0x1;
	[dreg:$0x2] =	wrdreg s3  }
0xa9: {  	[dreg:$0x3] =	wrdreg s5  }
0xaa: {  	[dreg:$0x4] =	wrdreg $0xC0  }
0xab: {  	_ =	task [dreg:s7], $0x5FFFF  }
0xac: {  	[dreg:$0x1] =	wrdreg $0xFFFFFFFF  }
0xad: {  	[dreg:$0x0] =	wrdreg $0x60  }
0xae: {  	[dreg:$0x2] =	wrdreg s24  }
0xaf: {  	[dreg:$0x3] =	wrdreg s2  }
0xb0: {  	[dreg:$0x4] =	wrdreg $0x50800  }
0xb1: {  	[dreg:$0x5] =	wrdreg $0x9  }
0xb2: {  	_ =	task.clear_ibuf [dreg:s7], $0x6FFFF;
	_ =	strace $0x90000046  }
0xb3: {  	s29 =	simm.s32 $0x9;
	_ =	strace $0x80000048  }
0xb4: {  	_ =	swait.ge [sflag:s29], $0x1  }
0xb5: {  	[sflag:s29] =	ssyncadd.s32 $0xFFFFFFFF  }
0xb6: {  	_ =	strace $0x90000048  }
0xb7: {  	_ =	sfence  }
0xb8: {  	s30 =	sld [smem:$0x0];
	_ =	sdelay $0x2  }
0xb9: {  	s31 =	sshll.u32 s1, $0xD;
	s1 =	sshrl.u32 s1, $0x2  }
0xba: {  	s3 =	sand.u32 $0x4000, s31;
	s1 =	sadd.s32 s1, s30  }
0xbb: {  	s0 =	sor.u32 s3, s0;
	s1 =	sshll.u32 s1, $0x11  }
0xbc: {  	s0 =	sor.u32 s1, s0  }
0xbd: {  	s0 =	sadd.s32 $0x8F2B, s0  }
0xbe: {  	[sflag:s0] =	ssyncadd.remote.s32 $0x1  }
0xbf: {  	_ =	sfence.sel $0xFFFF  }
0xc0: {  	[dreg:$0x0] =	wrdreg $0xFFFFFFFF;
	(pc) =	sbr.abs _section_cstart, $3  }
0xc1: {  	[dreg:$0x1] =	wrdreg $0xFFFFFFFF  }
0xc2: {  	_ =	task.clear_ibuf [dreg:s7], $0x2FFFF;
	_ =	strace $0x9FFFFFFF  }
0xc3: {  	(tm) =	ssettm $0x7FFFFFFF  }
tec
execute0_lowered:
.L_overlay_start_1:
0x0: {  	(tag) =	ssettag $0x1  }
0x1: {  	s5 =	rddreg [dreg:$0x0]  }
0x2: {  	s0 =	srdreg.scid;
	s7 =	rddreg [dreg:$0x1]  }
0x3: {  	s2 =	rddreg [dreg:$0x2];
	s1 =	stileid.u32  }
0x4: {  	s3 =	simm.s32 $0x0;
	s13 =	simm.s32 $0x1;
	s14 =	simm.s32 $0x7D  }
0x5: {  	s15 =	simm.s32 $0x2;
	s4 =	sand.u32 $0x1, s0;
	s0 =	rddreg [dreg:$0x3]  }
0x6: {  	s17 =	simm.s32 $0x0;
	[smem:$0x7FF] =	sst s3;
	s10 =	smul.u32 $0x500, s1  }
0x7: {  	s12 =	smul.u32 $0xA00, s1;
	s31 =	sshll.u32 s1, $0x6;
	p0 =	sgt.u32 s1, $0x7  }
0x8: {  	s6 =	sshll.u32 s4, $0x4;
	_ =	strace $0x80000047;
	s8 =	smul.u32 $0x2800, s4  }
0x9: {  	s9 =	ssub.s32 $0x2, s4;
	s4 =	sadd.s32 $0x17C00, s5;
	s6 =	sor.u32 s1, s6  }
0xa: {  	s11 =	sshrl.u32 s9, $0x1;
	s30 =	sshrl.u32 s12, $0x2;
	s16 =	sadd.s32 s10, s2  }
0xb: {  	s6 =	smul.u32 $0xA00, s6;
	s9 =	ssub.s32 s9, s11;
	s8 =	sadd.s32 s10, s8  }
0xc: {  	s12 =	sadd.s32 s30, s2;
	s10 =	simm.s32 $0x3;
	s11 =	sor.u32 $0x1C03, s31  }
0xd: {  	s16 =	sshrl.u32 @!p0 s16, $0x3;
	s8 =	sshrl.u32 s8, $0x3;
	s12 =	sshrl.u32 s12, $0x3  }
0xe: {  	s6 =	sadd.s32 s6, s5;
	s5 =	sadd.s32 $0x17E00, s5;
	s7 =	sadd.s32 s7, s8  }
0xf: {  	s8 =	smax.u32 s9, $0x1;
	s9 =	simm.s32 $0x5000;
	s6 =	sadd.s32 $0x3C00, s6  }
.LBB2_1:
0x10: {  	[tilespmem:s3], [sflag:$0x1] =	stream.linear.gather [hbm4b:s6+s3], $0x5000, $0x38;
	[tilespmem:$0x5300] =	vst v63  }
0x11: {  	_ = 	snop  }
0x12: {  	[tilespmem:s9], [sflag:$0x3] =	stream.linear.gather [hbm4b:s4+s3], $0x80, $0x38;
	[tilespmem:$0x5300] =	vst v63  }
0x13: {  	_ =	swait.ge [sflag:s10], $0x80  }
0x14: {  	[sflag:s10] =	ssyncset.done $0x0  }
0x15: {  	[sflag:s10] =	ssyncadd.s32 $0xFFFFFF80  }
0x16: {  	[spmem:s12], [sflag:s11] =	dma.local [hbm:s5], $0x50  }
0x17: {  	_ =	swait.ge [sflag:s10], $0x50  }
0x18: {  	[sflag:s10] =	ssyncset.done $0x0  }
0x19: {  	[sflag:s10] =	ssyncadd.s32 $0xFFFFFFB0  }
0x1a: {  	_ =	swait.ge [sflag:s13], $0x5000  }
0x1b: {  	[sflag:s13] =	ssyncset.done $0x0  }
0x1c: {  	[sflag:s13] =	ssyncadd.s32 $0xFFFFB000  }
0x1d: {  	s18 =	simm.s32 $0x200;
	[bflag:$0x0] =	sbarrier.arrive $0xFFFF  }
.LBB2_2:
0x1e: {  	p1 =	sne.s32 s18, $0x13E00  }
.Ltmp0:
0x1f: {  	_ = 	snop;
	(pc) =	sbr.rel @p1 .LBB2_2-.Ltmp0, $3  }
0x20: {  	_ =	sdelay $0x1  }
0x21: {  	s19 =	sshra.s32 s18, $0x2;
	s18 =	sadd.s32 $0x400, s18  }
0x22: {  	[spmem:s2] =	stream.indirect.scatter.add.f32 [tilespmem:s9], [sflag:$0x2], $0x1, s19, s14, $0xb8;
	[tilespmem:$0x5300] =	vst v63  }
0x23: {  	_ =	swait.ge [sflag:s15], $0x7D  }
0x24: {  	s18 =	simm.s32 $0x4F;
	[sflag:s15] =	ssyncset.done $0x0  }
.LBB2_4:
0x25: {  	p1 =	sne.s32 s18, $0x1;
	s18 =	sadd.s32 $0xFFFFFFFF, s18;
	[sflag:s15] =	ssyncadd.s32 $0xFFFFFF83  }
.Ltmp1:
0x26: {  	(pc) =	sbr.rel @p1 .LBB2_4-.Ltmp1, $3  }
0x27: {  	_ =	sdelay $0x1  }
0x28: {  	_ =	swait.ge [sflag:s15], $0x7D  }
0x29: {  	[sflag:s15] =	ssyncset.done $0x0  }
0x2a: {  	s17 =	sadd.s32 $0x1, s17  }
0x2b: {  	[sflag:s15] =	ssyncadd.s32 $0xFFFFFF83;
	p1 =	sne.s32 s17, s8  }
.Ltmp2:
0x2c: {  	s18 =	simm.s32 @!p0 $0x3;
	[bflag:$0x0] =	sbarrier.arrive $0xFFFF;
	(pc) =	sbr.rel @p1 .LBB2_1-.Ltmp2, $4  }
0x2d: {  	[hbm:s7], [sflag:s11] =	dma.local @!p0 [spmem:s16], $0xA0  }
0x2e: {  	_ =	swait.ge @!p0 [sflag:s18], $0xA0  }
0x2f: {  	[sflag:s18] =	ssyncset.done @!p0 $0x0  }
0x30: {  	[sflag:s18] =	ssyncadd.s32 @!p0 $0xFFFFFF60  }
0x31: {  	_ =	sfence.sel $0x180000  }
0x32: {  	[bflag:$0x0] =	sbarrier.arrive $0xFFFF  }
0x33: {  	p0 =	sne.s32 s1, $0x0;
	_ =	strace $0x90000047  }
0x34: {  	s0 =	sadd.s32 @!p0 $0x100000, s0;
	[bflag:$0x2] =	sbarrier.arrive $0xFFFF  }
0x35: {  	[sflag:s0] =	ssyncadd.tile.s32 @!p0 $0x1;
	_ =	shalt  }
.Lfunc_end2:
_tile_overlayer_lowered:
.L_overlay_start_2:
0x36: {  	(tag) =	ssettag $0x2  }
0x37: {  	s0 =	rddreg [dreg:$0x0];
	s2 =	stileid.u32  }
0x38: {  	s1 =	rddreg [dreg:$0x1];
	p0 =	sne.s32 s2, $0x0  }
0x39: {  	s3 =	rddreg [dreg:$0x2];
	[bflag:$0x3] =	sbarrier.arrive $0xFFFF;
	s2 =	simm.s32 @!p0 $0x1C03  }
0x3a: {  	[timem:s3], [sflag:s2] =	dma.local @!p0 [hbm:s0], s1  }
0x3b: {  	s0 =	simm.s32 @!p0 $0x3  }
0x3c: {  	_ =	swait.ge @!p0 [sflag:s0], s1  }
0x3d: {  	s1 =	ssub.s32 @!p0 $0x0, s1;
	[sflag:s0] =	ssyncset.done @!p0 $0x0  }
0x3e: {  	[sflag:s0] =	ssyncadd.s32 @!p0 s1  }
0x3f: {  	[bflag:$0x3] =	sbarrier.arrive $0xFFFF  }
0x40: {  	_ =	shalt  }

</sc_bundles>
